<compile_context>
chip_gen: v7x
topology: tpu7x:2x2x1
jax: 0.10.2.dev20260603
libtpu: 0.0.44.dev20260713+nightly
codegen_flags: <defaults>
</compile_context>

<pallas_src>
import functools

import jax
import jax.numpy as jnp
from jax import lax
from jax.experimental import pallas as pl
from jax.experimental.pallas import tpu as pltpu
from jax.experimental.pallas import tpu_sc as plsc

VOCAB = 100000
EMBED_DIM = 128
BATCH = 4096
HIST_LEN = 50

B_TOTAL = BATCH * HIST_LEN
NUM_CORES = 2
NUM_SUBCORES = 16
NW = NUM_CORES * NUM_SUBCORES
CHUNK = BATCH // NW
N_CHUNKS = HIST_LEN
NBUF = 5
G = 2


def _gather_body(idx_hbm, table_hbm, out_hbm, idx_v, rows_v, gsems, wsems):
    wid = lax.axis_index("s") * NUM_CORES + lax.axis_index("c")
    col = wid * CHUNK
    pltpu.sync_copy(idx_hbm.at[:, pl.ds(col, CHUNK)], idx_v)

    def g_copy(c, b):
        return pltpu.make_async_copy(
            table_hbm.at[idx_v.at[c]],
            rows_v.at[b],
            gsems.at[b],
        )

    def w_copy(c, b):
        return pltpu.make_async_copy(
            rows_v.at[b],
            out_hbm.at[pl.ds(c * BATCH + col, CHUNK)],
            wsems.at[b],
        )

    for b in range(G):
        g_copy(b, b).start()

    @pl.loop(0, N_CHUNKS, step=NBUF)
    def _outer(g):
        for b in range(NBUF):
            c = g + b
            g_copy(c, b).wait()
            w_copy(c, b).start()
            nb = (b + G) % NBUF

            @pl.when(c + G < N_CHUNKS)
            def _start_next():
                @pl.when(c >= NBUF - G)
                def _free_slot():
                    w_copy(c - (NBUF - G), nb).wait()

                g_copy(c + G, nb).start()

    for b in range(NBUF):
        w_copy(N_CHUNKS - NBUF + b, b).wait()


_kernel_call = functools.partial(
    pl.kernel,
    out_type=jax.ShapeDtypeStruct((B_TOTAL, EMBED_DIM), jnp.float32),
    mesh=plsc.VectorSubcoreMesh(
        core_axis_name="c", subcore_axis_name="s",
        num_cores=NUM_CORES, num_subcores=NUM_SUBCORES,
    ),
    scratch_types=[
        pltpu.VMEM((HIST_LEN, CHUNK), jnp.int32),
        pltpu.VMEM((NBUF, CHUNK, EMBED_DIM), jnp.float32),
        pltpu.SemaphoreType.DMA((NBUF,)),
        pltpu.SemaphoreType.DMA((NBUF,)),
    ],
)(_gather_body)


@jax.jit
def kernel(hidden_states, emb_table):
    idx_tb = hidden_states.T
    out = _kernel_call(idx_tb, emb_table)
    return out.reshape(HIST_LEN, BATCH, EMBED_DIM).transpose(1, 0, 2)

# --- scband reference (transcript-rebuilt; emitter-appended) ---
"""Pipeline reference for scband-model-lite-22033182228932 (READ-ONLY COPY).

The authoritative reference and input builder live on the scoring server;
editing this copy changes nothing except your own understanding.
"""

import jax, jax.numpy as jnp
import numpy as np

VOCAB = 100000
EMBED_DIM = 128
BATCH = 4096
HIST_LEN = 50


def setup_inputs(seed: int = 0) -> dict:
    key = jax.random.key(seed)
    k_idx, k_tab = jax.random.split(key)
    # indices into the embedding table (int32 used for CPU-jax exec safety; semantically int64)
    hidden_states = jax.random.randint(k_idx, (BATCH, HIST_LEN), 0, VOCAB, dtype=jnp.int32)
    # learned embedding table, sized per init_kwargs (num_embeddings x embedding_dim)
    emb_table = jax.random.normal(k_tab, (VOCAB, EMBED_DIM), dtype=jnp.float32) * 0.02
    return {"hidden_states": hidden_states, "emb_table": emb_table}


def reference(hidden_states, emb_table):
    # Faithful translation of self.model.transformer.word_embeddings(hidden_states):
    # an nn.Embedding lookup == row gather from the table.
    return jnp.take(emb_table, hidden_states, axis=0)

if __name__ == "__main__":
    import jax
    _d = setup_inputs()
    print(jax.jit(kernel)(*tuple(_d.values())))

</pallas_src>

<mosaic_0001>
#map = affine_map<(d0, d1) -> (0, 0)>
module attributes {stable_mosaic.version = 14 : i64} {
  func.func @_gather_body(%arg0: i32, %arg1: i32, %arg2: memref<50x4096xi32, #tpu.memory_space<hbm>>, %arg3: memref<100000x128xf32, #tpu.memory_space<hbm>>, %arg4: memref<204800x128xf32, #tpu.memory_space<hbm>>, %arg5: memref<50x128xi32, #tpu.memory_space<vmem>>, %arg6: memref<5x128x128xf32, #tpu.memory_space<vmem>>, %arg7: memref<5x!tpu.dma_semaphore, #tpu.memory_space<semaphore_mem>>, %arg8: memref<5x!tpu.dma_semaphore, #tpu.memory_space<semaphore_mem>>) attributes {dimension_semantics = [#tpu.dimension_semantics<core_parallel>, #tpu.dimension_semantics<subcore_parallel>], iteration_bounds = array<i64: 2, 16>, scalar_prefetch = 0 : i64, scratch_operands = 4 : i64, tpu.core_type = #tpu.core_type<sc_vector_subcore>, window_params = [{transform_indices = #map}, {transform_indices = #map}, {transform_indices = #map}]} {
    %mul3A = arith.constant 2 : i32
    %mul3A_0 = arith.muli %arg1, %mul3A : i32
    %add3A = arith.addi %mul3A_0, %arg0 : i32
    %mul3A_1 = arith.constant 128 : i32
    %mul3A_2 = arith.muli %add3A, %mul3A_1 : i32
    "tpu.region"() ({
      %run_scoped3A = tpu.sem_alloc : memref<!tpu.dma_semaphore, #tpu.memory_space<semaphore_mem>>
      %dma_start3A_125 = arith.constant 0 : i32
      %dma_start3A_126 = tpu.memref_slice %arg2[%dma_start3A_125, %mul3A_2] : memref<50x4096xi32, #tpu.memory_space<hbm>> -> memref<50x128xi32, #tpu.memory_space<hbm>>
      %dma_start3A_127 = arith.constant 0 : i32
      %dma_start3A_128 = tpu.memref_slice %arg2[%dma_start3A_127, %mul3A_2] : memref<50x4096xi32, #tpu.memory_space<hbm>> -> memref<50x128xi32, #tpu.memory_space<hbm>>
      tpu.enqueue_dma source(%dma_start3A_128 : memref<50x128xi32, #tpu.memory_space<hbm>>) target(%arg5 : memref<50x128xi32, #tpu.memory_space<vmem>>) target_semaphore(%run_scoped3A : memref<!tpu.dma_semaphore, #tpu.memory_space<semaphore_mem>>)
      %dma_wait3A_129 = arith.constant 0 : i32
      %dma_wait3A_130 = tpu.memref_slice %arg2[%dma_wait3A_129, %mul3A_2] : memref<50x4096xi32, #tpu.memory_space<hbm>> -> memref<50x128xi32, #tpu.memory_space<hbm>>
      %dma_wait3A_131 = arith.constant 0 : i32
      %dma_wait3A_132 = tpu.memref_slice %arg2[%dma_wait3A_131, %mul3A_2] : memref<50x4096xi32, #tpu.memory_space<hbm>> -> memref<50x128xi32, #tpu.memory_space<hbm>>
      tpu.wait_dma2 semaphore(%run_scoped3A : memref<!tpu.dma_semaphore, #tpu.memory_space<semaphore_mem>>) src(%dma_wait3A_132 : memref<50x128xi32, #tpu.memory_space<hbm>>) dst(%arg5 : memref<50x128xi32, #tpu.memory_space<vmem>>)
      tpu.yield
    }) : () -> ()
    %dma_start3A = arith.constant 0 : i32
    %dma_start3A_3 = arith.constant 0 : i32
    %dma_start3A_4 = arith.constant 0 : i32
    %dma_start3A_5 = arith.constant 0 : i32
    %dma_start3A_6 = arith.constant 0 : i32
    %dma_start3A_7 = tpu.memref_slice %arg6[%dma_start3A_3, %dma_start3A_5, %dma_start3A_6] : memref<5x128x128xf32, #tpu.memory_space<vmem>> -> memref<1x128x128xf32, #tpu.memory_space<vmem>>
    %dma_start3A_8 = tpu.memref_squeeze %dma_start3A_7 : memref<1x128x128xf32, #tpu.memory_space<vmem>> -> memref<128x128xf32, #tpu.memory_space<vmem>>
    %dma_start3A_9 = arith.constant 0 : i32
    %dma_start3A_10 = tpu.memref_slice %arg5[%dma_start3A, %dma_start3A_9] : memref<50x128xi32, #tpu.memory_space<vmem>> -> memref<1x128xi32, #tpu.memory_space<vmem>>
    %dma_start3A_11 = tpu.memref_squeeze %dma_start3A_10 : memref<1x128xi32, #tpu.memory_space<vmem>> -> memref<128xi32, #tpu.memory_space<vmem>>
    %dma_start3A_12 = arith.constant 0 : i32
    %dma_start3A_13 = arith.constant 0 : i32
    %dma_start3A_14 = tpu.memref_slice %arg3[%dma_start3A_12, %dma_start3A_13] : memref<100000x128xf32, #tpu.memory_space<hbm>> -> memref<100000x128xf32, #tpu.memory_space<hbm>>
    %dma_start3A_15 = tpu.memref_slice %arg7[%dma_start3A_4] : memref<5x!tpu.dma_semaphore, #tpu.memory_space<semaphore_mem>> -> memref<1x!tpu.dma_semaphore, #tpu.memory_space<semaphore_mem>>
    %dma_start3A_16 = tpu.memref_squeeze %dma_start3A_15 : memref<1x!tpu.dma_semaphore, #tpu.memory_space<semaphore_mem>> -> memref<!tpu.dma_semaphore, #tpu.memory_space<semaphore_mem>>
    tpu.enqueue_indirect_dma source(%dma_start3A_14 : memref<100000x128xf32, #tpu.memory_space<hbm>>) target(%dma_start3A_8 : memref<128x128xf32, #tpu.memory_space<vmem>>) offsets(%dma_start3A_11 : memref<128xi32, #tpu.memory_space<vmem>>) semaphore(%dma_start3A_16 : memref<!tpu.dma_semaphore, #tpu.memory_space<semaphore_mem>>)
    %dma_start3A_17 = arith.constant 1 : i32
    %dma_start3A_18 = arith.constant 1 : i32
    %dma_start3A_19 = arith.constant 1 : i32
    %dma_start3A_20 = arith.constant 0 : i32
    %dma_start3A_21 = arith.constant 0 : i32
    %dma_start3A_22 = tpu.memref_slice %arg6[%dma_start3A_18, %dma_start3A_20, %dma_start3A_21] : memref<5x128x128xf32, #tpu.memory_space<vmem>> -> memref<1x128x128xf32, #tpu.memory_space<vmem>>
    %dma_start3A_23 = tpu.memref_squeeze %dma_start3A_22 : memref<1x128x128xf32, #tpu.memory_space<vmem>> -> memref<128x128xf32, #tpu.memory_space<vmem>>
    %dma_start3A_24 = arith.constant 0 : i32
    %dma_start3A_25 = tpu.memref_slice %arg5[%dma_start3A_17, %dma_start3A_24] : memref<50x128xi32, #tpu.memory_space<vmem>> -> memref<1x128xi32, #tpu.memory_space<vmem>>
    %dma_start3A_26 = tpu.memref_squeeze %dma_start3A_25 : memref<1x128xi32, #tpu.memory_space<vmem>> -> memref<128xi32, #tpu.memory_space<vmem>>
    %dma_start3A_27 = arith.constant 0 : i32
    %dma_start3A_28 = arith.constant 0 : i32
    %dma_start3A_29 = tpu.memref_slice %arg3[%dma_start3A_27, %dma_start3A_28] : memref<100000x128xf32, #tpu.memory_space<hbm>> -> memref<100000x128xf32, #tpu.memory_space<hbm>>
    %dma_start3A_30 = tpu.memref_slice %arg7[%dma_start3A_19] : memref<5x!tpu.dma_semaphore, #tpu.memory_space<semaphore_mem>> -> memref<1x!tpu.dma_semaphore, #tpu.memory_space<semaphore_mem>>
    %dma_start3A_31 = tpu.memref_squeeze %dma_start3A_30 : memref<1x!tpu.dma_semaphore, #tpu.memory_space<semaphore_mem>> -> memref<!tpu.dma_semaphore, #tpu.memory_space<semaphore_mem>>
    tpu.enqueue_indirect_dma source(%dma_start3A_29 : memref<100000x128xf32, #tpu.memory_space<hbm>>) target(%dma_start3A_23 : memref<128x128xf32, #tpu.memory_space<vmem>>) offsets(%dma_start3A_26 : memref<128xi32, #tpu.memory_space<vmem>>) semaphore(%dma_start3A_31 : memref<!tpu.dma_semaphore, #tpu.memory_space<semaphore_mem>>)
    %scan3A = arith.constant 0 : i32
    %scan3A_32 = arith.constant 10 : i32
    %scan3A_33 = arith.addi %scan3A, %scan3A_32 : i32
    %scan3A_34 = arith.constant 1 : i32
    scf.for %scan3A_125 = %scan3A to %scan3A_33 step %scan3A_34  : i32 {
      %mul3A_126 = arith.constant 5 : i32
      %mul3A_127 = arith.muli %scan3A_125, %mul3A_126 : i32
      %add3A_128 = arith.constant 0 : i32
      %add3A_129 = arith.addi %add3A_128, %mul3A_127 : i32
      %add3A_130 = arith.constant 0 : i32
      %add3A_131 = arith.addi %add3A_129, %add3A_130 : i32
      %dma_wait3A_132 = arith.constant 0 : i32
      %dma_wait3A_133 = arith.constant 0 : i32
      %dma_wait3A_134 = arith.constant 0 : i32
      %dma_wait3A_135 = arith.constant 0 : i32
      %dma_wait3A_136 = tpu.memref_slice %arg6[%dma_wait3A_132, %dma_wait3A_134, %dma_wait3A_135] : memref<5x128x128xf32, #tpu.memory_space<vmem>> -> memref<1x128x128xf32, #tpu.memory_space<vmem>>
      %dma_wait3A_137 = tpu.memref_squeeze %dma_wait3A_136 : memref<1x128x128xf32, #tpu.memory_space<vmem>> -> memref<128x128xf32, #tpu.memory_space<vmem>>
      %dma_wait3A_138 = arith.constant 0 : i32
      %dma_wait3A_139 = tpu.memref_slice %arg5[%add3A_131, %dma_wait3A_138] : memref<50x128xi32, #tpu.memory_space<vmem>> -> memref<1x128xi32, #tpu.memory_space<vmem>>
      %dma_wait3A_140 = tpu.memref_squeeze %dma_wait3A_139 : memref<1x128xi32, #tpu.memory_space<vmem>> -> memref<128xi32, #tpu.memory_space<vmem>>
      %dma_wait3A_141 = arith.constant 0 : i32
      %dma_wait3A_142 = arith.constant 0 : i32
      %dma_wait3A_143 = tpu.memref_slice %arg3[%dma_wait3A_141, %dma_wait3A_142] : memref<100000x128xf32, #tpu.memory_space<hbm>> -> memref<100000x128xf32, #tpu.memory_space<hbm>>
      %dma_wait3A_144 = tpu.memref_slice %arg7[%dma_wait3A_133] : memref<5x!tpu.dma_semaphore, #tpu.memory_space<semaphore_mem>> -> memref<1x!tpu.dma_semaphore, #tpu.memory_space<semaphore_mem>>
      %dma_wait3A_145 = tpu.memref_squeeze %dma_wait3A_144 : memref<1x!tpu.dma_semaphore, #tpu.memory_space<semaphore_mem>> -> memref<!tpu.dma_semaphore, #tpu.memory_space<semaphore_mem>>
      tpu.wait_indirect_dma semaphore(%dma_wait3A_145 : memref<!tpu.dma_semaphore, #tpu.memory_space<semaphore_mem>>) src(%dma_wait3A_143 : memref<100000x128xf32, #tpu.memory_space<hbm>>) dst(%dma_wait3A_137 : memref<128x128xf32, #tpu.memory_space<vmem>>)
      %mul3A_146 = arith.constant 4096 : i32
      %mul3A_147 = arith.muli %add3A_131, %mul3A_146 : i32
      %add3A_148 = arith.addi %mul3A_147, %mul3A_2 : i32
      %dma_start3A_149 = arith.constant 0 : i32
      %dma_start3A_150 = arith.constant 0 : i32
      %dma_start3A_151 = arith.constant 0 : i32
      %dma_start3A_152 = arith.constant 0 : i32
      %dma_start3A_153 = tpu.memref_slice %arg6[%dma_start3A_149, %dma_start3A_151, %dma_start3A_152] : memref<5x128x128xf32, #tpu.memory_space<vmem>> -> memref<1x128x128xf32, #tpu.memory_space<vmem>>
      %dma_start3A_154 = tpu.memref_squeeze %dma_start3A_153 : memref<1x128x128xf32, #tpu.memory_space<vmem>> -> memref<128x128xf32, #tpu.memory_space<vmem>>
      %dma_start3A_155 = arith.constant 0 : i32
      %dma_start3A_156 = tpu.memref_slice %arg4[%add3A_148, %dma_start3A_155] : memref<204800x128xf32, #tpu.memory_space<hbm>> -> memref<128x128xf32, #tpu.memory_space<hbm>>
      %dma_start3A_157 = tpu.memref_slice %arg8[%dma_start3A_150] : memref<5x!tpu.dma_semaphore, #tpu.memory_space<semaphore_mem>> -> memref<1x!tpu.dma_semaphore, #tpu.memory_space<semaphore_mem>>
      %dma_start3A_158 = tpu.memref_squeeze %dma_start3A_157 : memref<1x!tpu.dma_semaphore, #tpu.memory_space<semaphore_mem>> -> memref<!tpu.dma_semaphore, #tpu.memory_space<semaphore_mem>>
      %dma_start3A_159 = arith.constant 0 : i32
      %dma_start3A_160 = tpu.memref_slice %arg4[%add3A_148, %dma_start3A_159] : memref<204800x128xf32, #tpu.memory_space<hbm>> -> memref<128x128xf32, #tpu.memory_space<hbm>>
      %dma_start3A_161 = arith.constant 0 : i32
      %dma_start3A_162 = arith.constant 0 : i32
      %dma_start3A_163 = tpu.memref_slice %arg6[%dma_start3A_149, %dma_start3A_161, %dma_start3A_162] : memref<5x128x128xf32, #tpu.memory_space<vmem>> -> memref<1x128x128xf32, #tpu.memory_space<vmem>>
      %dma_start3A_164 = tpu.memref_squeeze %dma_start3A_163 : memref<1x128x128xf32, #tpu.memory_space<vmem>> -> memref<128x128xf32, #tpu.memory_space<vmem>>
      tpu.enqueue_dma source(%dma_start3A_164 : memref<128x128xf32, #tpu.memory_space<vmem>>) target(%dma_start3A_160 : memref<128x128xf32, #tpu.memory_space<hbm>>) target_semaphore(%dma_start3A_158 : memref<!tpu.dma_semaphore, #tpu.memory_space<semaphore_mem>>)
      %add3A_165 = arith.constant 2 : i32
      %add3A_166 = arith.addi %add3A_131, %add3A_165 : i32
      %lt3A = arith.constant 50 : i32
      %lt3A_167 = arith.cmpi slt, %add3A_166, %lt3A : i32
      %convert_element_type3A = arith.extui %lt3A_167 : i1 to i32
      %cond3A = arith.constant 0 : i32
      %cond3A_168 = arith.cmpi ne, %convert_element_type3A, %cond3A : i32
      scf.if %cond3A_168 {
        %ge3A = arith.constant 3 : i32
        %ge3A_337 = arith.cmpi sge, %add3A_131, %ge3A : i32
        %convert_element_type3A_338 = arith.extui %ge3A_337 : i1 to i32
        %cond3A_339 = arith.constant 0 : i32
        %cond3A_340 = arith.cmpi ne, %convert_element_type3A_338, %cond3A_339 : i32
        scf.if %cond3A_340 {
          %sub3A = arith.constant 3 : i32
          %sub3A_357 = arith.subi %add3A_131, %sub3A : i32
          %mul3A_358 = arith.constant 4096 : i32
          %mul3A_359 = arith.muli %sub3A_357, %mul3A_358 : i32
          %add3A_360 = arith.addi %mul3A_359, %mul3A_2 : i32
          %dma_wait3A_361 = arith.constant 2 : i32
          %dma_wait3A_362 = arith.constant 2 : i32
          %dma_wait3A_363 = arith.constant 0 : i32
          %dma_wait3A_364 = arith.constant 0 : i32
          %dma_wait3A_365 = tpu.memref_slice %arg6[%dma_wait3A_361, %dma_wait3A_363, %dma_wait3A_364] : memref<5x128x128xf32, #tpu.memory_space<vmem>> -> memref<1x128x128xf32, #tpu.memory_space<vmem>>
          %dma_wait3A_366 = tpu.memref_squeeze %dma_wait3A_365 : memref<1x128x128xf32, #tpu.memory_space<vmem>> -> memref<128x128xf32, #tpu.memory_space<vmem>>
          %dma_wait3A_367 = arith.constant 0 : i32
          %dma_wait3A_368 = tpu.memref_slice %arg4[%add3A_360, %dma_wait3A_367] : memref<204800x128xf32, #tpu.memory_space<hbm>> -> memref<128x128xf32, #tpu.memory_space<hbm>>
          %dma_wait3A_369 = tpu.memref_slice %arg8[%dma_wait3A_362] : memref<5x!tpu.dma_semaphore, #tpu.memory_space<semaphore_mem>> -> memref<1x!tpu.dma_semaphore, #tpu.memory_space<semaphore_mem>>
          %dma_wait3A_370 = tpu.memref_squeeze %dma_wait3A_369 : memref<1x!tpu.dma_semaphore, #tpu.memory_space<semaphore_mem>> -> memref<!tpu.dma_semaphore, #tpu.memory_space<semaphore_mem>>
          %dma_wait3A_371 = arith.constant 0 : i32
          %dma_wait3A_372 = tpu.memref_slice %arg4[%add3A_360, %dma_wait3A_371] : memref<204800x128xf32, #tpu.memory_space<hbm>> -> memref<128x128xf32, #tpu.memory_space<hbm>>
          %dma_wait3A_373 = arith.constant 0 : i32
          %dma_wait3A_374 = arith.constant 0 : i32
          %dma_wait3A_375 = tpu.memref_slice %arg6[%dma_wait3A_361, %dma_wait3A_373, %dma_wait3A_374] : memref<5x128x128xf32, #tpu.memory_space<vmem>> -> memref<1x128x128xf32, #tpu.memory_space<vmem>>
          %dma_wait3A_376 = tpu.memref_squeeze %dma_wait3A_375 : memref<1x128x128xf32, #tpu.memory_space<vmem>> -> memref<128x128xf32, #tpu.memory_space<vmem>>
          tpu.wait_dma2 semaphore(%dma_wait3A_370 : memref<!tpu.dma_semaphore, #tpu.memory_space<semaphore_mem>>) src(%dma_wait3A_376 : memref<128x128xf32, #tpu.memory_space<vmem>>) dst(%dma_wait3A_372 : memref<128x128xf32, #tpu.memory_space<hbm>>)
        } else {
        }
        %add3A_341 = arith.constant 2 : i32
        %add3A_342 = arith.addi %add3A_131, %add3A_341 : i32
        %dma_start3A_343 = arith.constant 2 : i32
        %dma_start3A_344 = arith.constant 2 : i32
        %dma_start3A_345 = arith.constant 0 : i32
        %dma_start3A_346 = arith.constant 0 : i32
        %dma_start3A_347 = tpu.memref_slice %arg6[%dma_start3A_343, %dma_start3A_345, %dma_start3A_346] : memref<5x128x128xf32, #tpu.memory_space<vmem>> -> memref<1x128x128xf32, #tpu.memory_space<vmem>>
        %dma_start3A_348 = tpu.memref_squeeze %dma_start3A_347 : memref<1x128x128xf32, #tpu.memory_space<vmem>> -> memref<128x128xf32, #tpu.memory_space<vmem>>
        %dma_start3A_349 = arith.constant 0 : i32
        %dma_start3A_350 = tpu.memref_slice %arg5[%add3A_342, %dma_start3A_349] : memref<50x128xi32, #tpu.memory_space<vmem>> -> memref<1x128xi32, #tpu.memory_space<vmem>>
        %dma_start3A_351 = tpu.memref_squeeze %dma_start3A_350 : memref<1x128xi32, #tpu.memory_space<vmem>> -> memref<128xi32, #tpu.memory_space<vmem>>
        %dma_start3A_352 = arith.constant 0 : i32
        %dma_start3A_353 = arith.constant 0 : i32
        %dma_start3A_354 = tpu.memref_slice %arg3[%dma_start3A_352, %dma_start3A_353] : memref<100000x128xf32, #tpu.memory_space<hbm>> -> memref<100000x128xf32, #tpu.memory_space<hbm>>
        %dma_start3A_355 = tpu.memref_slice %arg7[%dma_start3A_344] : memref<5x!tpu.dma_semaphore, #tpu.memory_space<semaphore_mem>> -> memref<1x!tpu.dma_semaphore, #tpu.memory_space<semaphore_mem>>
        %dma_start3A_356 = tpu.memref_squeeze %dma_start3A_355 : memref<1x!tpu.dma_semaphore, #tpu.memory_space<semaphore_mem>> -> memref<!tpu.dma_semaphore, #tpu.memory_space<semaphore_mem>>
        tpu.enqueue_indirect_dma source(%dma_start3A_354 : memref<100000x128xf32, #tpu.memory_space<hbm>>) target(%dma_start3A_348 : memref<128x128xf32, #tpu.memory_space<vmem>>) offsets(%dma_start3A_351 : memref<128xi32, #tpu.memory_space<vmem>>) semaphore(%dma_start3A_356 : memref<!tpu.dma_semaphore, #tpu.memory_space<semaphore_mem>>)
      } else {
      }
      %add3A_169 = arith.constant 1 : i32
      %add3A_170 = arith.addi %add3A_129, %add3A_169 : i32
      %dma_wait3A_171 = arith.constant 1 : i32
      %dma_wait3A_172 = arith.constant 1 : i32
      %dma_wait3A_173 = arith.constant 0 : i32
      %dma_wait3A_174 = arith.constant 0 : i32
      %dma_wait3A_175 = tpu.memref_slice %arg6[%dma_wait3A_171, %dma_wait3A_173, %dma_wait3A_174] : memref<5x128x128xf32, #tpu.memory_space<vmem>> -> memref<1x128x128xf32, #tpu.memory_space<vmem>>
      %dma_wait3A_176 = tpu.memref_squeeze %dma_wait3A_175 : memref<1x128x128xf32, #tpu.memory_space<vmem>> -> memref<128x128xf32, #tpu.memory_space<vmem>>
      %dma_wait3A_177 = arith.constant 0 : i32
      %dma_wait3A_178 = tpu.memref_slice %arg5[%add3A_170, %dma_wait3A_177] : memref<50x128xi32, #tpu.memory_space<vmem>> -> memref<1x128xi32, #tpu.memory_space<vmem>>
      %dma_wait3A_179 = tpu.memref_squeeze %dma_wait3A_178 : memref<1x128xi32, #tpu.memory_space<vmem>> -> memref<128xi32, #tpu.memory_space<vmem>>
      %dma_wait3A_180 = arith.constant 0 : i32
      %dma_wait3A_181 = arith.constant 0 : i32
      %dma_wait3A_182 = tpu.memref_slice %arg3[%dma_wait3A_180, %dma_wait3A_181] : memref<100000x128xf32, #tpu.memory_space<hbm>> -> memref<100000x128xf32, #tpu.memory_space<hbm>>
      %dma_wait3A_183 = tpu.memref_slice %arg7[%dma_wait3A_172] : memref<5x!tpu.dma_semaphore, #tpu.memory_space<semaphore_mem>> -> memref<1x!tpu.dma_semaphore, #tpu.memory_space<semaphore_mem>>
      %dma_wait3A_184 = tpu.memref_squeeze %dma_wait3A_183 : memref<1x!tpu.dma_semaphore, #tpu.memory_space<semaphore_mem>> -> memref<!tpu.dma_semaphore, #tpu.memory_space<semaphore_mem>>
      tpu.wait_indirect_dma semaphore(%dma_wait3A_184 : memref<!tpu.dma_semaphore, #tpu.memory_space<semaphore_mem>>) src(%dma_wait3A_182 : memref<100000x128xf32, #tpu.memory_space<hbm>>) dst(%dma_wait3A_176 : memref<128x128xf32, #tpu.memory_space<vmem>>)
      %mul3A_185 = arith.constant 4096 : i32
      %mul3A_186 = arith.muli %add3A_170, %mul3A_185 : i32
      %add3A_187 = arith.addi %mul3A_186, %mul3A_2 : i32
      %dma_start3A_188 = arith.constant 1 : i32
      %dma_start3A_189 = arith.constant 1 : i32
      %dma_start3A_190 = arith.constant 0 : i32
      %dma_start3A_191 = arith.constant 0 : i32
      %dma_start3A_192 = tpu.memref_slice %arg6[%dma_start3A_188, %dma_start3A_190, %dma_start3A_191] : memref<5x128x128xf32, #tpu.memory_space<vmem>> -> memref<1x128x128xf32, #tpu.memory_space<vmem>>
      %dma_start3A_193 = tpu.memref_squeeze %dma_start3A_192 : memref<1x128x128xf32, #tpu.memory_space<vmem>> -> memref<128x128xf32, #tpu.memory_space<vmem>>
      %dma_start3A_194 = arith.constant 0 : i32
      %dma_start3A_195 = tpu.memref_slice %arg4[%add3A_187, %dma_start3A_194] : memref<204800x128xf32, #tpu.memory_space<hbm>> -> memref<128x128xf32, #tpu.memory_space<hbm>>
      %dma_start3A_196 = tpu.memref_slice %arg8[%dma_start3A_189] : memref<5x!tpu.dma_semaphore, #tpu.memory_space<semaphore_mem>> -> memref<1x!tpu.dma_semaphore, #tpu.memory_space<semaphore_mem>>
      %dma_start3A_197 = tpu.memref_squeeze %dma_start3A_196 : memref<1x!tpu.dma_semaphore, #tpu.memory_space<semaphore_mem>> -> memref<!tpu.dma_semaphore, #tpu.memory_space<semaphore_mem>>
      %dma_start3A_198 = arith.constant 0 : i32
      %dma_start3A_199 = tpu.memref_slice %arg4[%add3A_187, %dma_start3A_198] : memref<204800x128xf32, #tpu.memory_space<hbm>> -> memref<128x128xf32, #tpu.memory_space<hbm>>
      %dma_start3A_200 = arith.constant 0 : i32
      %dma_start3A_201 = arith.constant 0 : i32
      %dma_start3A_202 = tpu.memref_slice %arg6[%dma_start3A_188, %dma_start3A_200, %dma_start3A_201] : memref<5x128x128xf32, #tpu.memory_space<vmem>> -> memref<1x128x128xf32, #tpu.memory_space<vmem>>
      %dma_start3A_203 = tpu.memref_squeeze %dma_start3A_202 : memref<1x128x128xf32, #tpu.memory_space<vmem>> -> memref<128x128xf32, #tpu.memory_space<vmem>>
      tpu.enqueue_dma source(%dma_start3A_203 : memref<128x128xf32, #tpu.memory_space<vmem>>) target(%dma_start3A_199 : memref<128x128xf32, #tpu.memory_space<hbm>>) target_semaphore(%dma_start3A_197 : memref<!tpu.dma_semaphore, #tpu.memory_space<semaphore_mem>>)
      %add3A_204 = arith.constant 2 : i32
      %add3A_205 = arith.addi %add3A_170, %add3A_204 : i32
      %lt3A_206 = arith.constant 50 : i32
      %lt3A_207 = arith.cmpi slt, %add3A_205, %lt3A_206 : i32
      %convert_element_type3A_208 = arith.extui %lt3A_207 : i1 to i32
      %cond3A_209 = arith.constant 0 : i32
      %cond3A_210 = arith.cmpi ne, %convert_element_type3A_208, %cond3A_209 : i32
      scf.if %cond3A_210 {
        %ge3A = arith.constant 3 : i32
        %ge3A_337 = arith.cmpi sge, %add3A_170, %ge3A : i32
        %convert_element_type3A_338 = arith.extui %ge3A_337 : i1 to i32
        %cond3A_339 = arith.constant 0 : i32
        %cond3A_340 = arith.cmpi ne, %convert_element_type3A_338, %cond3A_339 : i32
        scf.if %cond3A_340 {
          %sub3A = arith.constant 3 : i32
          %sub3A_357 = arith.subi %add3A_170, %sub3A : i32
          %mul3A_358 = arith.constant 4096 : i32
          %mul3A_359 = arith.muli %sub3A_357, %mul3A_358 : i32
          %add3A_360 = arith.addi %mul3A_359, %mul3A_2 : i32
          %dma_wait3A_361 = arith.constant 3 : i32
          %dma_wait3A_362 = arith.constant 3 : i32
          %dma_wait3A_363 = arith.constant 0 : i32
          %dma_wait3A_364 = arith.constant 0 : i32
          %dma_wait3A_365 = tpu.memref_slice %arg6[%dma_wait3A_361, %dma_wait3A_363, %dma_wait3A_364] : memref<5x128x128xf32, #tpu.memory_space<vmem>> -> memref<1x128x128xf32, #tpu.memory_space<vmem>>
          %dma_wait3A_366 = tpu.memref_squeeze %dma_wait3A_365 : memref<1x128x128xf32, #tpu.memory_space<vmem>> -> memref<128x128xf32, #tpu.memory_space<vmem>>
          %dma_wait3A_367 = arith.constant 0 : i32
          %dma_wait3A_368 = tpu.memref_slice %arg4[%add3A_360, %dma_wait3A_367] : memref<204800x128xf32, #tpu.memory_space<hbm>> -> memref<128x128xf32, #tpu.memory_space<hbm>>
          %dma_wait3A_369 = tpu.memref_slice %arg8[%dma_wait3A_362] : memref<5x!tpu.dma_semaphore, #tpu.memory_space<semaphore_mem>> -> memref<1x!tpu.dma_semaphore, #tpu.memory_space<semaphore_mem>>
          %dma_wait3A_370 = tpu.memref_squeeze %dma_wait3A_369 : memref<1x!tpu.dma_semaphore, #tpu.memory_space<semaphore_mem>> -> memref<!tpu.dma_semaphore, #tpu.memory_space<semaphore_mem>>
          %dma_wait3A_371 = arith.constant 0 : i32
          %dma_wait3A_372 = tpu.memref_slice %arg4[%add3A_360, %dma_wait3A_371] : memref<204800x128xf32, #tpu.memory_space<hbm>> -> memref<128x128xf32, #tpu.memory_space<hbm>>
          %dma_wait3A_373 = arith.constant 0 : i32
          %dma_wait3A_374 = arith.constant 0 : i32
          %dma_wait3A_375 = tpu.memref_slice %arg6[%dma_wait3A_361, %dma_wait3A_373, %dma_wait3A_374] : memref<5x128x128xf32, #tpu.memory_space<vmem>> -> memref<1x128x128xf32, #tpu.memory_space<vmem>>
          %dma_wait3A_376 = tpu.memref_squeeze %dma_wait3A_375 : memref<1x128x128xf32, #tpu.memory_space<vmem>> -> memref<128x128xf32, #tpu.memory_space<vmem>>
          tpu.wait_dma2 semaphore(%dma_wait3A_370 : memref<!tpu.dma_semaphore, #tpu.memory_space<semaphore_mem>>) src(%dma_wait3A_376 : memref<128x128xf32, #tpu.memory_space<vmem>>) dst(%dma_wait3A_372 : memref<128x128xf32, #tpu.memory_space<hbm>>)
        } else {
        }
        %add3A_341 = arith.constant 2 : i32
        %add3A_342 = arith.addi %add3A_170, %add3A_341 : i32
        %dma_start3A_343 = arith.constant 3 : i32
        %dma_start3A_344 = arith.constant 3 : i32
        %dma_start3A_345 = arith.constant 0 : i32
        %dma_start3A_346 = arith.constant 0 : i32
        %dma_start3A_347 = tpu.memref_slice %arg6[%dma_start3A_343, %dma_start3A_345, %dma_start3A_346] : memref<5x128x128xf32, #tpu.memory_space<vmem>> -> memref<1x128x128xf32, #tpu.memory_space<vmem>>
        %dma_start3A_348 = tpu.memref_squeeze %dma_start3A_347 : memref<1x128x128xf32, #tpu.memory_space<vmem>> -> memref<128x128xf32, #tpu.memory_space<vmem>>
        %dma_start3A_349 = arith.constant 0 : i32
        %dma_start3A_350 = tpu.memref_slice %arg5[%add3A_342, %dma_start3A_349] : memref<50x128xi32, #tpu.memory_space<vmem>> -> memref<1x128xi32, #tpu.memory_space<vmem>>
        %dma_start3A_351 = tpu.memref_squeeze %dma_start3A_350 : memref<1x128xi32, #tpu.memory_space<vmem>> -> memref<128xi32, #tpu.memory_space<vmem>>
        %dma_start3A_352 = arith.constant 0 : i32
        %dma_start3A_353 = arith.constant 0 : i32
        %dma_start3A_354 = tpu.memref_slice %arg3[%dma_start3A_352, %dma_start3A_353] : memref<100000x128xf32, #tpu.memory_space<hbm>> -> memref<100000x128xf32, #tpu.memory_space<hbm>>
        %dma_start3A_355 = tpu.memref_slice %arg7[%dma_start3A_344] : memref<5x!tpu.dma_semaphore, #tpu.memory_space<semaphore_mem>> -> memref<1x!tpu.dma_semaphore, #tpu.memory_space<semaphore_mem>>
        %dma_start3A_356 = tpu.memref_squeeze %dma_start3A_355 : memref<1x!tpu.dma_semaphore, #tpu.memory_space<semaphore_mem>> -> memref<!tpu.dma_semaphore, #tpu.memory_space<semaphore_mem>>
        tpu.enqueue_indirect_dma source(%dma_start3A_354 : memref<100000x128xf32, #tpu.memory_space<hbm>>) target(%dma_start3A_348 : memref<128x128xf32, #tpu.memory_space<vmem>>) offsets(%dma_start3A_351 : memref<128xi32, #tpu.memory_space<vmem>>) semaphore(%dma_start3A_356 : memref<!tpu.dma_semaphore, #tpu.memory_space<semaphore_mem>>)
      } else {
      }
      %add3A_211 = arith.constant 2 : i32
      %add3A_212 = arith.addi %add3A_129, %add3A_211 : i32
      %dma_wait3A_213 = arith.constant 2 : i32
      %dma_wait3A_214 = arith.constant 2 : i32
      %dma_wait3A_215 = arith.constant 0 : i32
      %dma_wait3A_216 = arith.constant 0 : i32
      %dma_wait3A_217 = tpu.memref_slice %arg6[%dma_wait3A_213, %dma_wait3A_215, %dma_wait3A_216] : memref<5x128x128xf32, #tpu.memory_space<vmem>> -> memref<1x128x128xf32, #tpu.memory_space<vmem>>
      %dma_wait3A_218 = tpu.memref_squeeze %dma_wait3A_217 : memref<1x128x128xf32, #tpu.memory_space<vmem>> -> memref<128x128xf32, #tpu.memory_space<vmem>>
      %dma_wait3A_219 = arith.constant 0 : i32
      %dma_wait3A_220 = tpu.memref_slice %arg5[%add3A_212, %dma_wait3A_219] : memref<50x128xi32, #tpu.memory_space<vmem>> -> memref<1x128xi32, #tpu.memory_space<vmem>>
      %dma_wait3A_221 = tpu.memref_squeeze %dma_wait3A_220 : memref<1x128xi32, #tpu.memory_space<vmem>> -> memref<128xi32, #tpu.memory_space<vmem>>
      %dma_wait3A_222 = arith.constant 0 : i32
      %dma_wait3A_223 = arith.constant 0 : i32
      %dma_wait3A_224 = tpu.memref_slice %arg3[%dma_wait3A_222, %dma_wait3A_223] : memref<100000x128xf32, #tpu.memory_space<hbm>> -> memref<100000x128xf32, #tpu.memory_space<hbm>>
      %dma_wait3A_225 = tpu.memref_slice %arg7[%dma_wait3A_214] : memref<5x!tpu.dma_semaphore, #tpu.memory_space<semaphore_mem>> -> memref<1x!tpu.dma_semaphore, #tpu.memory_space<semaphore_mem>>
      %dma_wait3A_226 = tpu.memref_squeeze %dma_wait3A_225 : memref<1x!tpu.dma_semaphore, #tpu.memory_space<semaphore_mem>> -> memref<!tpu.dma_semaphore, #tpu.memory_space<semaphore_mem>>
      tpu.wait_indirect_dma semaphore(%dma_wait3A_226 : memref<!tpu.dma_semaphore, #tpu.memory_space<semaphore_mem>>) src(%dma_wait3A_224 : memref<100000x128xf32, #tpu.memory_space<hbm>>) dst(%dma_wait3A_218 : memref<128x128xf32, #tpu.memory_space<vmem>>)
      %mul3A_227 = arith.constant 4096 : i32
      %mul3A_228 = arith.muli %add3A_212, %mul3A_227 : i32
      %add3A_229 = arith.addi %mul3A_228, %mul3A_2 : i32
      %dma_start3A_230 = arith.constant 2 : i32
      %dma_start3A_231 = arith.constant 2 : i32
      %dma_start3A_232 = arith.constant 0 : i32
      %dma_start3A_233 = arith.constant 0 : i32
      %dma_start3A_234 = tpu.memref_slice %arg6[%dma_start3A_230, %dma_start3A_232, %dma_start3A_233] : memref<5x128x128xf32, #tpu.memory_space<vmem>> -> memref<1x128x128xf32, #tpu.memory_space<vmem>>
      %dma_start3A_235 = tpu.memref_squeeze %dma_start3A_234 : memref<1x128x128xf32, #tpu.memory_space<vmem>> -> memref<128x128xf32, #tpu.memory_space<vmem>>
      %dma_start3A_236 = arith.constant 0 : i32
      %dma_start3A_237 = tpu.memref_slice %arg4[%add3A_229, %dma_start3A_236] : memref<204800x128xf32, #tpu.memory_space<hbm>> -> memref<128x128xf32, #tpu.memory_space<hbm>>
      %dma_start3A_238 = tpu.memref_slice %arg8[%dma_start3A_231] : memref<5x!tpu.dma_semaphore, #tpu.memory_space<semaphore_mem>> -> memref<1x!tpu.dma_semaphore, #tpu.memory_space<semaphore_mem>>
      %dma_start3A_239 = tpu.memref_squeeze %dma_start3A_238 : memref<1x!tpu.dma_semaphore, #tpu.memory_space<semaphore_mem>> -> memref<!tpu.dma_semaphore, #tpu.memory_space<semaphore_mem>>
      %dma_start3A_240 = arith.constant 0 : i32
      %dma_start3A_241 = tpu.memref_slice %arg4[%add3A_229, %dma_start3A_240] : memref<204800x128xf32, #tpu.memory_space<hbm>> -> memref<128x128xf32, #tpu.memory_space<hbm>>
      %dma_start3A_242 = arith.constant 0 : i32
      %dma_start3A_243 = arith.constant 0 : i32
      %dma_start3A_244 = tpu.memref_slice %arg6[%dma_start3A_230, %dma_start3A_242, %dma_start3A_243] : memref<5x128x128xf32, #tpu.memory_space<vmem>> -> memref<1x128x128xf32, #tpu.memory_space<vmem>>
      %dma_start3A_245 = tpu.memref_squeeze %dma_start3A_244 : memref<1x128x128xf32, #tpu.memory_space<vmem>> -> memref<128x128xf32, #tpu.memory_space<vmem>>
      tpu.enqueue_dma source(%dma_start3A_245 : memref<128x128xf32, #tpu.memory_space<vmem>>) target(%dma_start3A_241 : memref<128x128xf32, #tpu.memory_space<hbm>>) target_semaphore(%dma_start3A_239 : memref<!tpu.dma_semaphore, #tpu.memory_space<semaphore_mem>>)
      %add3A_246 = arith.constant 2 : i32
      %add3A_247 = arith.addi %add3A_212, %add3A_246 : i32
      %lt3A_248 = arith.constant 50 : i32
      %lt3A_249 = arith.cmpi slt, %add3A_247, %lt3A_248 : i32
      %convert_element_type3A_250 = arith.extui %lt3A_249 : i1 to i32
      %cond3A_251 = arith.constant 0 : i32
      %cond3A_252 = arith.cmpi ne, %convert_element_type3A_250, %cond3A_251 : i32
      scf.if %cond3A_252 {
        %ge3A = arith.constant 3 : i32
        %ge3A_337 = arith.cmpi sge, %add3A_212, %ge3A : i32
        %convert_element_type3A_338 = arith.extui %ge3A_337 : i1 to i32
        %cond3A_339 = arith.constant 0 : i32
        %cond3A_340 = arith.cmpi ne, %convert_element_type3A_338, %cond3A_339 : i32
        scf.if %cond3A_340 {
          %sub3A = arith.constant 3 : i32
          %sub3A_357 = arith.subi %add3A_212, %sub3A : i32
          %mul3A_358 = arith.constant 4096 : i32
          %mul3A_359 = arith.muli %sub3A_357, %mul3A_358 : i32
          %add3A_360 = arith.addi %mul3A_359, %mul3A_2 : i32
          %dma_wait3A_361 = arith.constant 4 : i32
          %dma_wait3A_362 = arith.constant 4 : i32
          %dma_wait3A_363 = arith.constant 0 : i32
          %dma_wait3A_364 = arith.constant 0 : i32
          %dma_wait3A_365 = tpu.memref_slice %arg6[%dma_wait3A_361, %dma_wait3A_363, %dma_wait3A_364] : memref<5x128x128xf32, #tpu.memory_space<vmem>> -> memref<1x128x128xf32, #tpu.memory_space<vmem>>
          %dma_wait3A_366 = tpu.memref_squeeze %dma_wait3A_365 : memref<1x128x128xf32, #tpu.memory_space<vmem>> -> memref<128x128xf32, #tpu.memory_space<vmem>>
          %dma_wait3A_367 = arith.constant 0 : i32
          %dma_wait3A_368 = tpu.memref_slice %arg4[%add3A_360, %dma_wait3A_367] : memref<204800x128xf32, #tpu.memory_space<hbm>> -> memref<128x128xf32, #tpu.memory_space<hbm>>
          %dma_wait3A_369 = tpu.memref_slice %arg8[%dma_wait3A_362] : memref<5x!tpu.dma_semaphore, #tpu.memory_space<semaphore_mem>> -> memref<1x!tpu.dma_semaphore, #tpu.memory_space<semaphore_mem>>
          %dma_wait3A_370 = tpu.memref_squeeze %dma_wait3A_369 : memref<1x!tpu.dma_semaphore, #tpu.memory_space<semaphore_mem>> -> memref<!tpu.dma_semaphore, #tpu.memory_space<semaphore_mem>>
          %dma_wait3A_371 = arith.constant 0 : i32
          %dma_wait3A_372 = tpu.memref_slice %arg4[%add3A_360, %dma_wait3A_371] : memref<204800x128xf32, #tpu.memory_space<hbm>> -> memref<128x128xf32, #tpu.memory_space<hbm>>
          %dma_wait3A_373 = arith.constant 0 : i32
          %dma_wait3A_374 = arith.constant 0 : i32
          %dma_wait3A_375 = tpu.memref_slice %arg6[%dma_wait3A_361, %dma_wait3A_373, %dma_wait3A_374] : memref<5x128x128xf32, #tpu.memory_space<vmem>> -> memref<1x128x128xf32, #tpu.memory_space<vmem>>
          %dma_wait3A_376 = tpu.memref_squeeze %dma_wait3A_375 : memref<1x128x128xf32, #tpu.memory_space<vmem>> -> memref<128x128xf32, #tpu.memory_space<vmem>>
          tpu.wait_dma2 semaphore(%dma_wait3A_370 : memref<!tpu.dma_semaphore, #tpu.memory_space<semaphore_mem>>) src(%dma_wait3A_376 : memref<128x128xf32, #tpu.memory_space<vmem>>) dst(%dma_wait3A_372 : memref<128x128xf32, #tpu.memory_space<hbm>>)
        } else {
        }
        %add3A_341 = arith.constant 2 : i32
        %add3A_342 = arith.addi %add3A_212, %add3A_341 : i32
        %dma_start3A_343 = arith.constant 4 : i32
        %dma_start3A_344 = arith.constant 4 : i32
        %dma_start3A_345 = arith.constant 0 : i32
        %dma_start3A_346 = arith.constant 0 : i32
        %dma_start3A_347 = tpu.memref_slice %arg6[%dma_start3A_343, %dma_start3A_345, %dma_start3A_346] : memref<5x128x128xf32, #tpu.memory_space<vmem>> -> memref<1x128x128xf32, #tpu.memory_space<vmem>>
        %dma_start3A_348 = tpu.memref_squeeze %dma_start3A_347 : memref<1x128x128xf32, #tpu.memory_space<vmem>> -> memref<128x128xf32, #tpu.memory_space<vmem>>
        %dma_start3A_349 = arith.constant 0 : i32
        %dma_start3A_350 = tpu.memref_slice %arg5[%add3A_342, %dma_start3A_349] : memref<50x128xi32, #tpu.memory_space<vmem>> -> memref<1x128xi32, #tpu.memory_space<vmem>>
        %dma_start3A_351 = tpu.memref_squeeze %dma_start3A_350 : memref<1x128xi32, #tpu.memory_space<vmem>> -> memref<128xi32, #tpu.memory_space<vmem>>
        %dma_start3A_352 = arith.constant 0 : i32
        %dma_start3A_353 = arith.constant 0 : i32
        %dma_start3A_354 = tpu.memref_slice %arg3[%dma_start3A_352, %dma_start3A_353] : memref<100000x128xf32, #tpu.memory_space<hbm>> -> memref<100000x128xf32, #tpu.memory_space<hbm>>
        %dma_start3A_355 = tpu.memref_slice %arg7[%dma_start3A_344] : memref<5x!tpu.dma_semaphore, #tpu.memory_space<semaphore_mem>> -> memref<1x!tpu.dma_semaphore, #tpu.memory_space<semaphore_mem>>
        %dma_start3A_356 = tpu.memref_squeeze %dma_start3A_355 : memref<1x!tpu.dma_semaphore, #tpu.memory_space<semaphore_mem>> -> memref<!tpu.dma_semaphore, #tpu.memory_space<semaphore_mem>>
        tpu.enqueue_indirect_dma source(%dma_start3A_354 : memref<100000x128xf32, #tpu.memory_space<hbm>>) target(%dma_start3A_348 : memref<128x128xf32, #tpu.memory_space<vmem>>) offsets(%dma_start3A_351 : memref<128xi32, #tpu.memory_space<vmem>>) semaphore(%dma_start3A_356 : memref<!tpu.dma_semaphore, #tpu.memory_space<semaphore_mem>>)
      } else {
      }
      %add3A_253 = arith.constant 3 : i32
      %add3A_254 = arith.addi %add3A_129, %add3A_253 : i32
      %dma_wait3A_255 = arith.constant 3 : i32
      %dma_wait3A_256 = arith.constant 3 : i32
      %dma_wait3A_257 = arith.constant 0 : i32
      %dma_wait3A_258 = arith.constant 0 : i32
      %dma_wait3A_259 = tpu.memref_slice %arg6[%dma_wait3A_255, %dma_wait3A_257, %dma_wait3A_258] : memref<5x128x128xf32, #tpu.memory_space<vmem>> -> memref<1x128x128xf32, #tpu.memory_space<vmem>>
      %dma_wait3A_260 = tpu.memref_squeeze %dma_wait3A_259 : memref<1x128x128xf32, #tpu.memory_space<vmem>> -> memref<128x128xf32, #tpu.memory_space<vmem>>
      %dma_wait3A_261 = arith.constant 0 : i32
      %dma_wait3A_262 = tpu.memref_slice %arg5[%add3A_254, %dma_wait3A_261] : memref<50x128xi32, #tpu.memory_space<vmem>> -> memref<1x128xi32, #tpu.memory_space<vmem>>
      %dma_wait3A_263 = tpu.memref_squeeze %dma_wait3A_262 : memref<1x128xi32, #tpu.memory_space<vmem>> -> memref<128xi32, #tpu.memory_space<vmem>>
      %dma_wait3A_264 = arith.constant 0 : i32
      %dma_wait3A_265 = arith.constant 0 : i32
      %dma_wait3A_266 = tpu.memref_slice %arg3[%dma_wait3A_264, %dma_wait3A_265] : memref<100000x128xf32, #tpu.memory_space<hbm>> -> memref<100000x128xf32, #tpu.memory_space<hbm>>
      %dma_wait3A_267 = tpu.memref_slice %arg7[%dma_wait3A_256] : memref<5x!tpu.dma_semaphore, #tpu.memory_space<semaphore_mem>> -> memref<1x!tpu.dma_semaphore, #tpu.memory_space<semaphore_mem>>
      %dma_wait3A_268 = tpu.memref_squeeze %dma_wait3A_267 : memref<1x!tpu.dma_semaphore, #tpu.memory_space<semaphore_mem>> -> memref<!tpu.dma_semaphore, #tpu.memory_space<semaphore_mem>>
      tpu.wait_indirect_dma semaphore(%dma_wait3A_268 : memref<!tpu.dma_semaphore, #tpu.memory_space<semaphore_mem>>) src(%dma_wait3A_266 : memref<100000x128xf32, #tpu.memory_space<hbm>>) dst(%dma_wait3A_260 : memref<128x128xf32, #tpu.memory_space<vmem>>)
      %mul3A_269 = arith.constant 4096 : i32
      %mul3A_270 = arith.muli %add3A_254, %mul3A_269 : i32
      %add3A_271 = arith.addi %mul3A_270, %mul3A_2 : i32
      %dma_start3A_272 = arith.constant 3 : i32
      %dma_start3A_273 = arith.constant 3 : i32
      %dma_start3A_274 = arith.constant 0 : i32
      %dma_start3A_275 = arith.constant 0 : i32
      %dma_start3A_276 = tpu.memref_slice %arg6[%dma_start3A_272, %dma_start3A_274, %dma_start3A_275] : memref<5x128x128xf32, #tpu.memory_space<vmem>> -> memref<1x128x128xf32, #tpu.memory_space<vmem>>
      %dma_start3A_277 = tpu.memref_squeeze %dma_start3A_276 : memref<1x128x128xf32, #tpu.memory_space<vmem>> -> memref<128x128xf32, #tpu.memory_space<vmem>>
      %dma_start3A_278 = arith.constant 0 : i32
      %dma_start3A_279 = tpu.memref_slice %arg4[%add3A_271, %dma_start3A_278] : memref<204800x128xf32, #tpu.memory_space<hbm>> -> memref<128x128xf32, #tpu.memory_space<hbm>>
      %dma_start3A_280 = tpu.memref_slice %arg8[%dma_start3A_273] : memref<5x!tpu.dma_semaphore, #tpu.memory_space<semaphore_mem>> -> memref<1x!tpu.dma_semaphore, #tpu.memory_space<semaphore_mem>>
      %dma_start3A_281 = tpu.memref_squeeze %dma_start3A_280 : memref<1x!tpu.dma_semaphore, #tpu.memory_space<semaphore_mem>> -> memref<!tpu.dma_semaphore, #tpu.memory_space<semaphore_mem>>
      %dma_start3A_282 = arith.constant 0 : i32
      %dma_start3A_283 = tpu.memref_slice %arg4[%add3A_271, %dma_start3A_282] : memref<204800x128xf32, #tpu.memory_space<hbm>> -> memref<128x128xf32, #tpu.memory_space<hbm>>
      %dma_start3A_284 = arith.constant 0 : i32
      %dma_start3A_285 = arith.constant 0 : i32
      %dma_start3A_286 = tpu.memref_slice %arg6[%dma_start3A_272, %dma_start3A_284, %dma_start3A_285] : memref<5x128x128xf32, #tpu.memory_space<vmem>> -> memref<1x128x128xf32, #tpu.memory_space<vmem>>
      %dma_start3A_287 = tpu.memref_squeeze %dma_start3A_286 : memref<1x128x128xf32, #tpu.memory_space<vmem>> -> memref<128x128xf32, #tpu.memory_space<vmem>>
      tpu.enqueue_dma source(%dma_start3A_287 : memref<128x128xf32, #tpu.memory_space<vmem>>) target(%dma_start3A_283 : memref<128x128xf32, #tpu.memory_space<hbm>>) target_semaphore(%dma_start3A_281 : memref<!tpu.dma_semaphore, #tpu.memory_space<semaphore_mem>>)
      %add3A_288 = arith.constant 2 : i32
      %add3A_289 = arith.addi %add3A_254, %add3A_288 : i32
      %lt3A_290 = arith.constant 50 : i32
      %lt3A_291 = arith.cmpi slt, %add3A_289, %lt3A_290 : i32
      %convert_element_type3A_292 = arith.extui %lt3A_291 : i1 to i32
      %cond3A_293 = arith.constant 0 : i32
      %cond3A_294 = arith.cmpi ne, %convert_element_type3A_292, %cond3A_293 : i32
      scf.if %cond3A_294 {
        %ge3A = arith.constant 3 : i32
        %ge3A_337 = arith.cmpi sge, %add3A_254, %ge3A : i32
        %convert_element_type3A_338 = arith.extui %ge3A_337 : i1 to i32
        %cond3A_339 = arith.constant 0 : i32
        %cond3A_340 = arith.cmpi ne, %convert_element_type3A_338, %cond3A_339 : i32
        scf.if %cond3A_340 {
          %sub3A = arith.constant 3 : i32
          %sub3A_357 = arith.subi %add3A_254, %sub3A : i32
          %mul3A_358 = arith.constant 4096 : i32
          %mul3A_359 = arith.muli %sub3A_357, %mul3A_358 : i32
          %add3A_360 = arith.addi %mul3A_359, %mul3A_2 : i32
          %dma_wait3A_361 = arith.constant 0 : i32
          %dma_wait3A_362 = arith.constant 0 : i32
          %dma_wait3A_363 = arith.constant 0 : i32
          %dma_wait3A_364 = arith.constant 0 : i32
          %dma_wait3A_365 = tpu.memref_slice %arg6[%dma_wait3A_361, %dma_wait3A_363, %dma_wait3A_364] : memref<5x128x128xf32, #tpu.memory_space<vmem>> -> memref<1x128x128xf32, #tpu.memory_space<vmem>>
          %dma_wait3A_366 = tpu.memref_squeeze %dma_wait3A_365 : memref<1x128x128xf32, #tpu.memory_space<vmem>> -> memref<128x128xf32, #tpu.memory_space<vmem>>
          %dma_wait3A_367 = arith.constant 0 : i32
          %dma_wait3A_368 = tpu.memref_slice %arg4[%add3A_360, %dma_wait3A_367] : memref<204800x128xf32, #tpu.memory_space<hbm>> -> memref<128x128xf32, #tpu.memory_space<hbm>>
          %dma_wait3A_369 = tpu.memref_slice %arg8[%dma_wait3A_362] : memref<5x!tpu.dma_semaphore, #tpu.memory_space<semaphore_mem>> -> memref<1x!tpu.dma_semaphore, #tpu.memory_space<semaphore_mem>>
          %dma_wait3A_370 = tpu.memref_squeeze %dma_wait3A_369 : memref<1x!tpu.dma_semaphore, #tpu.memory_space<semaphore_mem>> -> memref<!tpu.dma_semaphore, #tpu.memory_space<semaphore_mem>>
          %dma_wait3A_371 = arith.constant 0 : i32
          %dma_wait3A_372 = tpu.memref_slice %arg4[%add3A_360, %dma_wait3A_371] : memref<204800x128xf32, #tpu.memory_space<hbm>> -> memref<128x128xf32, #tpu.memory_space<hbm>>
          %dma_wait3A_373 = arith.constant 0 : i32
          %dma_wait3A_374 = arith.constant 0 : i32
          %dma_wait3A_375 = tpu.memref_slice %arg6[%dma_wait3A_361, %dma_wait3A_373, %dma_wait3A_374] : memref<5x128x128xf32, #tpu.memory_space<vmem>> -> memref<1x128x128xf32, #tpu.memory_space<vmem>>
          %dma_wait3A_376 = tpu.memref_squeeze %dma_wait3A_375 : memref<1x128x128xf32, #tpu.memory_space<vmem>> -> memref<128x128xf32, #tpu.memory_space<vmem>>
          tpu.wait_dma2 semaphore(%dma_wait3A_370 : memref<!tpu.dma_semaphore, #tpu.memory_space<semaphore_mem>>) src(%dma_wait3A_376 : memref<128x128xf32, #tpu.memory_space<vmem>>) dst(%dma_wait3A_372 : memref<128x128xf32, #tpu.memory_space<hbm>>)
        } else {
        }
        %add3A_341 = arith.constant 2 : i32
        %add3A_342 = arith.addi %add3A_254, %add3A_341 : i32
        %dma_start3A_343 = arith.constant 0 : i32
        %dma_start3A_344 = arith.constant 0 : i32
        %dma_start3A_345 = arith.constant 0 : i32
        %dma_start3A_346 = arith.constant 0 : i32
        %dma_start3A_347 = tpu.memref_slice %arg6[%dma_start3A_343, %dma_start3A_345, %dma_start3A_346] : memref<5x128x128xf32, #tpu.memory_space<vmem>> -> memref<1x128x128xf32, #tpu.memory_space<vmem>>
        %dma_start3A_348 = tpu.memref_squeeze %dma_start3A_347 : memref<1x128x128xf32, #tpu.memory_space<vmem>> -> memref<128x128xf32, #tpu.memory_space<vmem>>
        %dma_start3A_349 = arith.constant 0 : i32
        %dma_start3A_350 = tpu.memref_slice %arg5[%add3A_342, %dma_start3A_349] : memref<50x128xi32, #tpu.memory_space<vmem>> -> memref<1x128xi32, #tpu.memory_space<vmem>>
        %dma_start3A_351 = tpu.memref_squeeze %dma_start3A_350 : memref<1x128xi32, #tpu.memory_space<vmem>> -> memref<128xi32, #tpu.memory_space<vmem>>
        %dma_start3A_352 = arith.constant 0 : i32
        %dma_start3A_353 = arith.constant 0 : i32
        %dma_start3A_354 = tpu.memref_slice %arg3[%dma_start3A_352, %dma_start3A_353] : memref<100000x128xf32, #tpu.memory_space<hbm>> -> memref<100000x128xf32, #tpu.memory_space<hbm>>
        %dma_start3A_355 = tpu.memref_slice %arg7[%dma_start3A_344] : memref<5x!tpu.dma_semaphore, #tpu.memory_space<semaphore_mem>> -> memref<1x!tpu.dma_semaphore, #tpu.memory_space<semaphore_mem>>
        %dma_start3A_356 = tpu.memref_squeeze %dma_start3A_355 : memref<1x!tpu.dma_semaphore, #tpu.memory_space<semaphore_mem>> -> memref<!tpu.dma_semaphore, #tpu.memory_space<semaphore_mem>>
        tpu.enqueue_indirect_dma source(%dma_start3A_354 : memref<100000x128xf32, #tpu.memory_space<hbm>>) target(%dma_start3A_348 : memref<128x128xf32, #tpu.memory_space<vmem>>) offsets(%dma_start3A_351 : memref<128xi32, #tpu.memory_space<vmem>>) semaphore(%dma_start3A_356 : memref<!tpu.dma_semaphore, #tpu.memory_space<semaphore_mem>>)
      } else {
      }
      %add3A_295 = arith.constant 4 : i32
      %add3A_296 = arith.addi %add3A_129, %add3A_295 : i32
      %dma_wait3A_297 = arith.constant 4 : i32
      %dma_wait3A_298 = arith.constant 4 : i32
      %dma_wait3A_299 = arith.constant 0 : i32
      %dma_wait3A_300 = arith.constant 0 : i32
      %dma_wait3A_301 = tpu.memref_slice %arg6[%dma_wait3A_297, %dma_wait3A_299, %dma_wait3A_300] : memref<5x128x128xf32, #tpu.memory_space<vmem>> -> memref<1x128x128xf32, #tpu.memory_space<vmem>>
      %dma_wait3A_302 = tpu.memref_squeeze %dma_wait3A_301 : memref<1x128x128xf32, #tpu.memory_space<vmem>> -> memref<128x128xf32, #tpu.memory_space<vmem>>
      %dma_wait3A_303 = arith.constant 0 : i32
      %dma_wait3A_304 = tpu.memref_slice %arg5[%add3A_296, %dma_wait3A_303] : memref<50x128xi32, #tpu.memory_space<vmem>> -> memref<1x128xi32, #tpu.memory_space<vmem>>
      %dma_wait3A_305 = tpu.memref_squeeze %dma_wait3A_304 : memref<1x128xi32, #tpu.memory_space<vmem>> -> memref<128xi32, #tpu.memory_space<vmem>>
      %dma_wait3A_306 = arith.constant 0 : i32
      %dma_wait3A_307 = arith.constant 0 : i32
      %dma_wait3A_308 = tpu.memref_slice %arg3[%dma_wait3A_306, %dma_wait3A_307] : memref<100000x128xf32, #tpu.memory_space<hbm>> -> memref<100000x128xf32, #tpu.memory_space<hbm>>
      %dma_wait3A_309 = tpu.memref_slice %arg7[%dma_wait3A_298] : memref<5x!tpu.dma_semaphore, #tpu.memory_space<semaphore_mem>> -> memref<1x!tpu.dma_semaphore, #tpu.memory_space<semaphore_mem>>
      %dma_wait3A_310 = tpu.memref_squeeze %dma_wait3A_309 : memref<1x!tpu.dma_semaphore, #tpu.memory_space<semaphore_mem>> -> memref<!tpu.dma_semaphore, #tpu.memory_space<semaphore_mem>>
      tpu.wait_indirect_dma semaphore(%dma_wait3A_310 : memref<!tpu.dma_semaphore, #tpu.memory_space<semaphore_mem>>) src(%dma_wait3A_308 : memref<100000x128xf32, #tpu.memory_space<hbm>>) dst(%dma_wait3A_302 : memref<128x128xf32, #tpu.memory_space<vmem>>)
      %mul3A_311 = arith.constant 4096 : i32
      %mul3A_312 = arith.muli %add3A_296, %mul3A_311 : i32
      %add3A_313 = arith.addi %mul3A_312, %mul3A_2 : i32
      %dma_start3A_314 = arith.constant 4 : i32
      %dma_start3A_315 = arith.constant 4 : i32
      %dma_start3A_316 = arith.constant 0 : i32
      %dma_start3A_317 = arith.constant 0 : i32
      %dma_start3A_318 = tpu.memref_slice %arg6[%dma_start3A_314, %dma_start3A_316, %dma_start3A_317] : memref<5x128x128xf32, #tpu.memory_space<vmem>> -> memref<1x128x128xf32, #tpu.memory_space<vmem>>
      %dma_start3A_319 = tpu.memref_squeeze %dma_start3A_318 : memref<1x128x128xf32, #tpu.memory_space<vmem>> -> memref<128x128xf32, #tpu.memory_space<vmem>>
      %dma_start3A_320 = arith.constant 0 : i32
      %dma_start3A_321 = tpu.memref_slice %arg4[%add3A_313, %dma_start3A_320] : memref<204800x128xf32, #tpu.memory_space<hbm>> -> memref<128x128xf32, #tpu.memory_space<hbm>>
      %dma_start3A_322 = tpu.memref_slice %arg8[%dma_start3A_315] : memref<5x!tpu.dma_semaphore, #tpu.memory_space<semaphore_mem>> -> memref<1x!tpu.dma_semaphore, #tpu.memory_space<semaphore_mem>>
      %dma_start3A_323 = tpu.memref_squeeze %dma_start3A_322 : memref<1x!tpu.dma_semaphore, #tpu.memory_space<semaphore_mem>> -> memref<!tpu.dma_semaphore, #tpu.memory_space<semaphore_mem>>
      %dma_start3A_324 = arith.constant 0 : i32
      %dma_start3A_325 = tpu.memref_slice %arg4[%add3A_313, %dma_start3A_324] : memref<204800x128xf32, #tpu.memory_space<hbm>> -> memref<128x128xf32, #tpu.memory_space<hbm>>
      %dma_start3A_326 = arith.constant 0 : i32
      %dma_start3A_327 = arith.constant 0 : i32
      %dma_start3A_328 = tpu.memref_slice %arg6[%dma_start3A_314, %dma_start3A_326, %dma_start3A_327] : memref<5x128x128xf32, #tpu.memory_space<vmem>> -> memref<1x128x128xf32, #tpu.memory_space<vmem>>
      %dma_start3A_329 = tpu.memref_squeeze %dma_start3A_328 : memref<1x128x128xf32, #tpu.memory_space<vmem>> -> memref<128x128xf32, #tpu.memory_space<vmem>>
      tpu.enqueue_dma source(%dma_start3A_329 : memref<128x128xf32, #tpu.memory_space<vmem>>) target(%dma_start3A_325 : memref<128x128xf32, #tpu.memory_space<hbm>>) target_semaphore(%dma_start3A_323 : memref<!tpu.dma_semaphore, #tpu.memory_space<semaphore_mem>>)
      %add3A_330 = arith.constant 2 : i32
      %add3A_331 = arith.addi %add3A_296, %add3A_330 : i32
      %lt3A_332 = arith.constant 50 : i32
      %lt3A_333 = arith.cmpi slt, %add3A_331, %lt3A_332 : i32
      %convert_element_type3A_334 = arith.extui %lt3A_333 : i1 to i32
      %cond3A_335 = arith.constant 0 : i32
      %cond3A_336 = arith.cmpi ne, %convert_element_type3A_334, %cond3A_335 : i32
      scf.if %cond3A_336 {
        %ge3A = arith.constant 3 : i32
        %ge3A_337 = arith.cmpi sge, %add3A_296, %ge3A : i32
        %convert_element_type3A_338 = arith.extui %ge3A_337 : i1 to i32
        %cond3A_339 = arith.constant 0 : i32
        %cond3A_340 = arith.cmpi ne, %convert_element_type3A_338, %cond3A_339 : i32
        scf.if %cond3A_340 {
          %sub3A = arith.constant 3 : i32
          %sub3A_357 = arith.subi %add3A_296, %sub3A : i32
          %mul3A_358 = arith.constant 4096 : i32
          %mul3A_359 = arith.muli %sub3A_357, %mul3A_358 : i32
          %add3A_360 = arith.addi %mul3A_359, %mul3A_2 : i32
          %dma_wait3A_361 = arith.constant 1 : i32
          %dma_wait3A_362 = arith.constant 1 : i32
          %dma_wait3A_363 = arith.constant 0 : i32
          %dma_wait3A_364 = arith.constant 0 : i32
          %dma_wait3A_365 = tpu.memref_slice %arg6[%dma_wait3A_361, %dma_wait3A_363, %dma_wait3A_364] : memref<5x128x128xf32, #tpu.memory_space<vmem>> -> memref<1x128x128xf32, #tpu.memory_space<vmem>>
          %dma_wait3A_366 = tpu.memref_squeeze %dma_wait3A_365 : memref<1x128x128xf32, #tpu.memory_space<vmem>> -> memref<128x128xf32, #tpu.memory_space<vmem>>
          %dma_wait3A_367 = arith.constant 0 : i32
          %dma_wait3A_368 = tpu.memref_slice %arg4[%add3A_360, %dma_wait3A_367] : memref<204800x128xf32, #tpu.memory_space<hbm>> -> memref<128x128xf32, #tpu.memory_space<hbm>>
          %dma_wait3A_369 = tpu.memref_slice %arg8[%dma_wait3A_362] : memref<5x!tpu.dma_semaphore, #tpu.memory_space<semaphore_mem>> -> memref<1x!tpu.dma_semaphore, #tpu.memory_space<semaphore_mem>>
          %dma_wait3A_370 = tpu.memref_squeeze %dma_wait3A_369 : memref<1x!tpu.dma_semaphore, #tpu.memory_space<semaphore_mem>> -> memref<!tpu.dma_semaphore, #tpu.memory_space<semaphore_mem>>
          %dma_wait3A_371 = arith.constant 0 : i32
          %dma_wait3A_372 = tpu.memref_slice %arg4[%add3A_360, %dma_wait3A_371] : memref<204800x128xf32, #tpu.memory_space<hbm>> -> memref<128x128xf32, #tpu.memory_space<hbm>>
          %dma_wait3A_373 = arith.constant 0 : i32
          %dma_wait3A_374 = arith.constant 0 : i32
          %dma_wait3A_375 = tpu.memref_slice %arg6[%dma_wait3A_361, %dma_wait3A_373, %dma_wait3A_374] : memref<5x128x128xf32, #tpu.memory_space<vmem>> -> memref<1x128x128xf32, #tpu.memory_space<vmem>>
          %dma_wait3A_376 = tpu.memref_squeeze %dma_wait3A_375 : memref<1x128x128xf32, #tpu.memory_space<vmem>> -> memref<128x128xf32, #tpu.memory_space<vmem>>
          tpu.wait_dma2 semaphore(%dma_wait3A_370 : memref<!tpu.dma_semaphore, #tpu.memory_space<semaphore_mem>>) src(%dma_wait3A_376 : memref<128x128xf32, #tpu.memory_space<vmem>>) dst(%dma_wait3A_372 : memref<128x128xf32, #tpu.memory_space<hbm>>)
        } else {
        }
        %add3A_341 = arith.constant 2 : i32
        %add3A_342 = arith.addi %add3A_296, %add3A_341 : i32
        %dma_start3A_343 = arith.constant 1 : i32
        %dma_start3A_344 = arith.constant 1 : i32
        %dma_start3A_345 = arith.constant 0 : i32
        %dma_start3A_346 = arith.constant 0 : i32
        %dma_start3A_347 = tpu.memref_slice %arg6[%dma_start3A_343, %dma_start3A_345, %dma_start3A_346] : memref<5x128x128xf32, #tpu.memory_space<vmem>> -> memref<1x128x128xf32, #tpu.memory_space<vmem>>
        %dma_start3A_348 = tpu.memref_squeeze %dma_start3A_347 : memref<1x128x128xf32, #tpu.memory_space<vmem>> -> memref<128x128xf32, #tpu.memory_space<vmem>>
        %dma_start3A_349 = arith.constant 0 : i32
        %dma_start3A_350 = tpu.memref_slice %arg5[%add3A_342, %dma_start3A_349] : memref<50x128xi32, #tpu.memory_space<vmem>> -> memref<1x128xi32, #tpu.memory_space<vmem>>
        %dma_start3A_351 = tpu.memref_squeeze %dma_start3A_350 : memref<1x128xi32, #tpu.memory_space<vmem>> -> memref<128xi32, #tpu.memory_space<vmem>>
        %dma_start3A_352 = arith.constant 0 : i32
        %dma_start3A_353 = arith.constant 0 : i32
        %dma_start3A_354 = tpu.memref_slice %arg3[%dma_start3A_352, %dma_start3A_353] : memref<100000x128xf32, #tpu.memory_space<hbm>> -> memref<100000x128xf32, #tpu.memory_space<hbm>>
        %dma_start3A_355 = tpu.memref_slice %arg7[%dma_start3A_344] : memref<5x!tpu.dma_semaphore, #tpu.memory_space<semaphore_mem>> -> memref<1x!tpu.dma_semaphore, #tpu.memory_space<semaphore_mem>>
        %dma_start3A_356 = tpu.memref_squeeze %dma_start3A_355 : memref<1x!tpu.dma_semaphore, #tpu.memory_space<semaphore_mem>> -> memref<!tpu.dma_semaphore, #tpu.memory_space<semaphore_mem>>
        tpu.enqueue_indirect_dma source(%dma_start3A_354 : memref<100000x128xf32, #tpu.memory_space<hbm>>) target(%dma_start3A_348 : memref<128x128xf32, #tpu.memory_space<vmem>>) offsets(%dma_start3A_351 : memref<128xi32, #tpu.memory_space<vmem>>) semaphore(%dma_start3A_356 : memref<!tpu.dma_semaphore, #tpu.memory_space<semaphore_mem>>)
      } else {
      }
    }
    %scan3A_35 = arith.constant 10 : i32
    %add3A_36 = arith.constant 184320 : i32
    %add3A_37 = arith.addi %add3A_36, %mul3A_2 : i32
    %dma_wait3A = arith.constant 0 : i32
    %dma_wait3A_38 = arith.constant 0 : i32
    %dma_wait3A_39 = arith.constant 0 : i32
    %dma_wait3A_40 = arith.constant 0 : i32
    %dma_wait3A_41 = tpu.memref_slice %arg6[%dma_wait3A, %dma_wait3A_39, %dma_wait3A_40] : memref<5x128x128xf32, #tpu.memory_space<vmem>> -> memref<1x128x128xf32, #tpu.memory_space<vmem>>
    %dma_wait3A_42 = tpu.memref_squeeze %dma_wait3A_41 : memref<1x128x128xf32, #tpu.memory_space<vmem>> -> memref<128x128xf32, #tpu.memory_space<vmem>>
    %dma_wait3A_43 = arith.constant 0 : i32
    %dma_wait3A_44 = tpu.memref_slice %arg4[%add3A_37, %dma_wait3A_43] : memref<204800x128xf32, #tpu.memory_space<hbm>> -> memref<128x128xf32, #tpu.memory_space<hbm>>
    %dma_wait3A_45 = tpu.memref_slice %arg8[%dma_wait3A_38] : memref<5x!tpu.dma_semaphore, #tpu.memory_space<semaphore_mem>> -> memref<1x!tpu.dma_semaphore, #tpu.memory_space<semaphore_mem>>
    %dma_wait3A_46 = tpu.memref_squeeze %dma_wait3A_45 : memref<1x!tpu.dma_semaphore, #tpu.memory_space<semaphore_mem>> -> memref<!tpu.dma_semaphore, #tpu.memory_space<semaphore_mem>>
    %dma_wait3A_47 = arith.constant 0 : i32
    %dma_wait3A_48 = tpu.memref_slice %arg4[%add3A_37, %dma_wait3A_47] : memref<204800x128xf32, #tpu.memory_space<hbm>> -> memref<128x128xf32, #tpu.memory_space<hbm>>
    %dma_wait3A_49 = arith.constant 0 : i32
    %dma_wait3A_50 = arith.constant 0 : i32
    %dma_wait3A_51 = tpu.memref_slice %arg6[%dma_wait3A, %dma_wait3A_49, %dma_wait3A_50] : memref<5x128x128xf32, #tpu.memory_space<vmem>> -> memref<1x128x128xf32, #tpu.memory_space<vmem>>
    %dma_wait3A_52 = tpu.memref_squeeze %dma_wait3A_51 : memref<1x128x128xf32, #tpu.memory_space<vmem>> -> memref<128x128xf32, #tpu.memory_space<vmem>>
    tpu.wait_dma2 semaphore(%dma_wait3A_46 : memref<!tpu.dma_semaphore, #tpu.memory_space<semaphore_mem>>) src(%dma_wait3A_52 : memref<128x128xf32, #tpu.memory_space<vmem>>) dst(%dma_wait3A_48 : memref<128x128xf32, #tpu.memory_space<hbm>>)
    %add3A_53 = arith.constant 188416 : i32
    %add3A_54 = arith.addi %add3A_53, %mul3A_2 : i32
    %dma_wait3A_55 = arith.constant 1 : i32
    %dma_wait3A_56 = arith.constant 1 : i32
    %dma_wait3A_57 = arith.constant 0 : i32
    %dma_wait3A_58 = arith.constant 0 : i32
    %dma_wait3A_59 = tpu.memref_slice %arg6[%dma_wait3A_55, %dma_wait3A_57, %dma_wait3A_58] : memref<5x128x128xf32, #tpu.memory_space<vmem>> -> memref<1x128x128xf32, #tpu.memory_space<vmem>>
    %dma_wait3A_60 = tpu.memref_squeeze %dma_wait3A_59 : memref<1x128x128xf32, #tpu.memory_space<vmem>> -> memref<128x128xf32, #tpu.memory_space<vmem>>
    %dma_wait3A_61 = arith.constant 0 : i32
    %dma_wait3A_62 = tpu.memref_slice %arg4[%add3A_54, %dma_wait3A_61] : memref<204800x128xf32, #tpu.memory_space<hbm>> -> memref<128x128xf32, #tpu.memory_space<hbm>>
    %dma_wait3A_63 = tpu.memref_slice %arg8[%dma_wait3A_56] : memref<5x!tpu.dma_semaphore, #tpu.memory_space<semaphore_mem>> -> memref<1x!tpu.dma_semaphore, #tpu.memory_space<semaphore_mem>>
    %dma_wait3A_64 = tpu.memref_squeeze %dma_wait3A_63 : memref<1x!tpu.dma_semaphore, #tpu.memory_space<semaphore_mem>> -> memref<!tpu.dma_semaphore, #tpu.memory_space<semaphore_mem>>
    %dma_wait3A_65 = arith.constant 0 : i32
    %dma_wait3A_66 = tpu.memref_slice %arg4[%add3A_54, %dma_wait3A_65] : memref<204800x128xf32, #tpu.memory_space<hbm>> -> memref<128x128xf32, #tpu.memory_space<hbm>>
    %dma_wait3A_67 = arith.constant 0 : i32
    %dma_wait3A_68 = arith.constant 0 : i32
    %dma_wait3A_69 = tpu.memref_slice %arg6[%dma_wait3A_55, %dma_wait3A_67, %dma_wait3A_68] : memref<5x128x128xf32, #tpu.memory_space<vmem>> -> memref<1x128x128xf32, #tpu.memory_space<vmem>>
    %dma_wait3A_70 = tpu.memref_squeeze %dma_wait3A_69 : memref<1x128x128xf32, #tpu.memory_space<vmem>> -> memref<128x128xf32, #tpu.memory_space<vmem>>
    tpu.wait_dma2 semaphore(%dma_wait3A_64 : memref<!tpu.dma_semaphore, #tpu.memory_space<semaphore_mem>>) src(%dma_wait3A_70 : memref<128x128xf32, #tpu.memory_space<vmem>>) dst(%dma_wait3A_66 : memref<128x128xf32, #tpu.memory_space<hbm>>)
    %add3A_71 = arith.constant 192512 : i32
    %add3A_72 = arith.addi %add3A_71, %mul3A_2 : i32
    %dma_wait3A_73 = arith.constant 2 : i32
    %dma_wait3A_74 = arith.constant 2 : i32
    %dma_wait3A_75 = arith.constant 0 : i32
    %dma_wait3A_76 = arith.constant 0 : i32
    %dma_wait3A_77 = tpu.memref_slice %arg6[%dma_wait3A_73, %dma_wait3A_75, %dma_wait3A_76] : memref<5x128x128xf32, #tpu.memory_space<vmem>> -> memref<1x128x128xf32, #tpu.memory_space<vmem>>
    %dma_wait3A_78 = tpu.memref_squeeze %dma_wait3A_77 : memref<1x128x128xf32, #tpu.memory_space<vmem>> -> memref<128x128xf32, #tpu.memory_space<vmem>>
    %dma_wait3A_79 = arith.constant 0 : i32
    %dma_wait3A_80 = tpu.memref_slice %arg4[%add3A_72, %dma_wait3A_79] : memref<204800x128xf32, #tpu.memory_space<hbm>> -> memref<128x128xf32, #tpu.memory_space<hbm>>
    %dma_wait3A_81 = tpu.memref_slice %arg8[%dma_wait3A_74] : memref<5x!tpu.dma_semaphore, #tpu.memory_space<semaphore_mem>> -> memref<1x!tpu.dma_semaphore, #tpu.memory_space<semaphore_mem>>
    %dma_wait3A_82 = tpu.memref_squeeze %dma_wait3A_81 : memref<1x!tpu.dma_semaphore, #tpu.memory_space<semaphore_mem>> -> memref<!tpu.dma_semaphore, #tpu.memory_space<semaphore_mem>>
    %dma_wait3A_83 = arith.constant 0 : i32
    %dma_wait3A_84 = tpu.memref_slice %arg4[%add3A_72, %dma_wait3A_83] : memref<204800x128xf32, #tpu.memory_space<hbm>> -> memref<128x128xf32, #tpu.memory_space<hbm>>
    %dma_wait3A_85 = arith.constant 0 : i32
    %dma_wait3A_86 = arith.constant 0 : i32
    %dma_wait3A_87 = tpu.memref_slice %arg6[%dma_wait3A_73, %dma_wait3A_85, %dma_wait3A_86] : memref<5x128x128xf32, #tpu.memory_space<vmem>> -> memref<1x128x128xf32, #tpu.memory_space<vmem>>
    %dma_wait3A_88 = tpu.memref_squeeze %dma_wait3A_87 : memref<1x128x128xf32, #tpu.memory_space<vmem>> -> memref<128x128xf32, #tpu.memory_space<vmem>>
    tpu.wait_dma2 semaphore(%dma_wait3A_82 : memref<!tpu.dma_semaphore, #tpu.memory_space<semaphore_mem>>) src(%dma_wait3A_88 : memref<128x128xf32, #tpu.memory_space<vmem>>) dst(%dma_wait3A_84 : memref<128x128xf32, #tpu.memory_space<hbm>>)
    %add3A_89 = arith.constant 196608 : i32
    %add3A_90 = arith.addi %add3A_89, %mul3A_2 : i32
    %dma_wait3A_91 = arith.constant 3 : i32
    %dma_wait3A_92 = arith.constant 3 : i32
    %dma_wait3A_93 = arith.constant 0 : i32
    %dma_wait3A_94 = arith.constant 0 : i32
    %dma_wait3A_95 = tpu.memref_slice %arg6[%dma_wait3A_91, %dma_wait3A_93, %dma_wait3A_94] : memref<5x128x128xf32, #tpu.memory_space<vmem>> -> memref<1x128x128xf32, #tpu.memory_space<vmem>>
    %dma_wait3A_96 = tpu.memref_squeeze %dma_wait3A_95 : memref<1x128x128xf32, #tpu.memory_space<vmem>> -> memref<128x128xf32, #tpu.memory_space<vmem>>
    %dma_wait3A_97 = arith.constant 0 : i32
    %dma_wait3A_98 = tpu.memref_slice %arg4[%add3A_90, %dma_wait3A_97] : memref<204800x128xf32, #tpu.memory_space<hbm>> -> memref<128x128xf32, #tpu.memory_space<hbm>>
    %dma_wait3A_99 = tpu.memref_slice %arg8[%dma_wait3A_92] : memref<5x!tpu.dma_semaphore, #tpu.memory_space<semaphore_mem>> -> memref<1x!tpu.dma_semaphore, #tpu.memory_space<semaphore_mem>>
    %dma_wait3A_100 = tpu.memref_squeeze %dma_wait3A_99 : memref<1x!tpu.dma_semaphore, #tpu.memory_space<semaphore_mem>> -> memref<!tpu.dma_semaphore, #tpu.memory_space<semaphore_mem>>
    %dma_wait3A_101 = arith.constant 0 : i32
    %dma_wait3A_102 = tpu.memref_slice %arg4[%add3A_90, %dma_wait3A_101] : memref<204800x128xf32, #tpu.memory_space<hbm>> -> memref<128x128xf32, #tpu.memory_space<hbm>>
    %dma_wait3A_103 = arith.constant 0 : i32
    %dma_wait3A_104 = arith.constant 0 : i32
    %dma_wait3A_105 = tpu.memref_slice %arg6[%dma_wait3A_91, %dma_wait3A_103, %dma_wait3A_104] : memref<5x128x128xf32, #tpu.memory_space<vmem>> -> memref<1x128x128xf32, #tpu.memory_space<vmem>>
    %dma_wait3A_106 = tpu.memref_squeeze %dma_wait3A_105 : memref<1x128x128xf32, #tpu.memory_space<vmem>> -> memref<128x128xf32, #tpu.memory_space<vmem>>
    tpu.wait_dma2 semaphore(%dma_wait3A_100 : memref<!tpu.dma_semaphore, #tpu.memory_space<semaphore_mem>>) src(%dma_wait3A_106 : memref<128x128xf32, #tpu.memory_space<vmem>>) dst(%dma_wait3A_102 : memref<128x128xf32, #tpu.memory_space<hbm>>)
    %add3A_107 = arith.constant 200704 : i32
    %add3A_108 = arith.addi %add3A_107, %mul3A_2 : i32
    %dma_wait3A_109 = arith.constant 4 : i32
    %dma_wait3A_110 = arith.constant 4 : i32
    %dma_wait3A_111 = arith.constant 0 : i32
    %dma_wait3A_112 = arith.constant 0 : i32
    %dma_wait3A_113 = tpu.memref_slice %arg6[%dma_wait3A_109, %dma_wait3A_111, %dma_wait3A_112] : memref<5x128x128xf32, #tpu.memory_space<vmem>> -> memref<1x128x128xf32, #tpu.memory_space<vmem>>
    %dma_wait3A_114 = tpu.memref_squeeze %dma_wait3A_113 : memref<1x128x128xf32, #tpu.memory_space<vmem>> -> memref<128x128xf32, #tpu.memory_space<vmem>>
    %dma_wait3A_115 = arith.constant 0 : i32
    %dma_wait3A_116 = tpu.memref_slice %arg4[%add3A_108, %dma_wait3A_115] : memref<204800x128xf32, #tpu.memory_space<hbm>> -> memref<128x128xf32, #tpu.memory_space<hbm>>
    %dma_wait3A_117 = tpu.memref_slice %arg8[%dma_wait3A_110] : memref<5x!tpu.dma_semaphore, #tpu.memory_space<semaphore_mem>> -> memref<1x!tpu.dma_semaphore, #tpu.memory_space<semaphore_mem>>
    %dma_wait3A_118 = tpu.memref_squeeze %dma_wait3A_117 : memref<1x!tpu.dma_semaphore, #tpu.memory_space<semaphore_mem>> -> memref<!tpu.dma_semaphore, #tpu.memory_space<semaphore_mem>>
    %dma_wait3A_119 = arith.constant 0 : i32
    %dma_wait3A_120 = tpu.memref_slice %arg4[%add3A_108, %dma_wait3A_119] : memref<204800x128xf32, #tpu.memory_space<hbm>> -> memref<128x128xf32, #tpu.memory_space<hbm>>
    %dma_wait3A_121 = arith.constant 0 : i32
    %dma_wait3A_122 = arith.constant 0 : i32
    %dma_wait3A_123 = tpu.memref_slice %arg6[%dma_wait3A_109, %dma_wait3A_121, %dma_wait3A_122] : memref<5x128x128xf32, #tpu.memory_space<vmem>> -> memref<1x128x128xf32, #tpu.memory_space<vmem>>
    %dma_wait3A_124 = tpu.memref_squeeze %dma_wait3A_123 : memref<1x128x128xf32, #tpu.memory_space<vmem>> -> memref<128x128xf32, #tpu.memory_space<vmem>>
    tpu.wait_dma2 semaphore(%dma_wait3A_118 : memref<!tpu.dma_semaphore, #tpu.memory_space<semaphore_mem>>) src(%dma_wait3A_124 : memref<128x128xf32, #tpu.memory_space<vmem>>) dst(%dma_wait3A_120 : memref<128x128xf32, #tpu.memory_space<hbm>>)
    return
  }
}

</mosaic_0001>

<sc_bundles>
// kernel: kernel.3.cloned.1.call-start
scs
__scs_entry_jumppad:
0x0: {  	(pc) =	sbr.rel $0x88, $3  }
0x1: {  	(tag) =	ssettag $0x0;
	lr =	simm.s32 $0x1  }
0x2: {  	[smem:$0x3F9F] =	sst lr;
	_ =	strace $0xD0000000  }
0x3: {  	_ = 	snop  }
0x4: {  	_ = 	snop  }
0x5: {  	_ = 	snop  }
0x6: {  	_ = 	snop  }
0x7: {  	_ = 	snop  }
__scs_overlays_trampoline_lowered:
0x8: {  	[smem:$0x3FAE] =	sst s0  }
0x9: {  	[smem:$0x3FAF] =	sst s1  }
0xa: {  	[smem:$0x3FB0] =	sst s2  }
0xb: {  	[smem:$0x3FB1] =	sst s3  }
0xc: {  	[smem:$0x3FB2] =	sst s4  }
0xd: {  	[smem:$0x3FB3] =	sst s5  }
0xe: {  	[smem:$0x3FB4] =	sst s6  }
0xf: {  	[smem:$0x3FB5] =	sst s7  }
0x10: {  	[smem:$0x3FB6] =	sst s8  }
0x11: {  	[smem:$0x3FB7] =	sst s9;
	s0 =	simm.s32 @!p0 $0x0  }
0x12: {  	s1 =	sld [smem:$0x3F9D];
	s0 =	simm.s32 @p0 $0x1  }
0x13: {  	[smem:$0x3FB8] =	sst s0;
	s0 =	simm.s32 @!p1 $0x0  }
0x14: {  	s2 =	sld [smem:$0x3F9C];
	s0 =	simm.s32 @p1 $0x1  }
0x15: {  	[smem:$0x3FB9] =	sst s0;
	s0 =	simm.s32 @!p2 $0x0  }
0x16: {  	s3 =	sld [smem:$0x3FDB];
	s0 =	simm.s32 @p2 $0x1  }
0x17: {  	s4 =	simm.s32 $0x1BF5;
	[smem:$0x3FBB] =	sst s0  }
0x18: {  	s0 =	sld [smem:$0x3F9E];
	_ =	swait.ge [sflag:s4], $0x0  }
0x19: {  	s7 =	sld [smem:$0x3F9F]  }
0x1a: {  	s8 =	sadd.s32 $0xFFFFE003, lr  }
0x1b: {  	s9 =	sadd.s32 $0xFFFFFEF7, lr;
	s5 =	simm.s32 $0xFFFFFFFF;
	p2 =	slt.u32 s8, $0xFFFFF086  }
0x1c: {  	p1 =	slt.u32 s9, $0xF7A;
	s5 =	simm.s32 @!p2 $0x0  }
0x1d: {  	s5 =	simm.s32 @p1 $0x1;
	p0 =	seq.s32 s7, s2  }
0x1e: {  	s7 =	smul.u32 @!p0 $0xF7A, s2;
	p2 =	seq.s32 @!p0 s5, $0x0  }
0x1f: {  	s9 =	smul.u32 $0xF7A, s1;
	s8 =	simm.s32 @!p0 $0x1BF5;
	p2 =	por !p2, p0  }
0x20: {  	[sflag:s8] =	ssyncset.s32 @!p0 $0xFFFFF086;
	s6 =	sadd.s32 @!p0 s3, s7;
	s7 =	simm.s32 @!p0 $0x108  }
0x21: {  	s3 =	sadd.s32 s3, s9;
	s6 =	sadd.s32 @!p0 $0x88, s6;
	s7 =	simm.s32 @p2 $0x1082  }
0x22: {  	[simem:s7], [sflag:s8] =	dma.local @!p0 [hbm:s6], $0xF7A  }
0x23: {  	s9 =	sor.u32 $0xD0000000, s2;
	s6 =	simm.s32 $0x108;
	_ =	swait.ge @!p0 [sflag:s8], $0x0  }
0x24: {  	s3 =	sadd.s32 $0x88, s3;
	s6 =	simm.s32 @!p1 $0x1082;
	[sflag:s4] =	ssyncset.s32 $0xFFFFF086  }
0x25: {  	[simem:s6], [sflag:s4] =	dma.local [hbm:s3], $0xF7A  }
0x26: {  	[smem:$0x3F9F] =	sst s1;
	(tag) =	ssettag s2;
	_ =	strace s9  }
0x27: {  	s1 =	sld [smem:$0x3FAF]  }
0x28: {  	s2 =	sld [smem:$0x3FB0]  }
0x29: {  	s4 =	sld [smem:$0x3FB2]  }
0x2a: {  	p0 =	seq.s32 s5, $0x0;
	s5 =	sld [smem:$0x3FB3]  }
0x2b: {  	s6 =	sld [smem:$0x3FB4]  }
0x2c: {  	s7 =	sld [smem:$0x3FB5]  }
0x2d: {  	s3 =	simm.s32 $0x108;
	s8 =	sld [smem:$0x3FB6]  }
0x2e: {  	s3 =	simm.s32 @!p0 $0x1082;
	s9 =	sld [smem:$0x3FB7]  }
0x2f: {  	lr =	sadd.s32 s0, s3;
	s0 =	sld [smem:$0x3FAE]  }
0x30: {  	s3 =	sld [smem:$0x3FB1]  }
0x31: {  	[smem:$0x3FBA] =	sst s10  }
0x32: {  	s10 =	sld [smem:$0x3FB8];
	_ =	sdelay $0x3  }
0x33: {  	p0 =	seq.s32 s10, $0x1;
	s10 =	sld [smem:$0x3FBA];
	_ =	sdelay $0x3  }
0x34: {  	[smem:$0x3FBA] =	sst s10  }
0x35: {  	s10 =	sld [smem:$0x3FB9];
	_ =	sdelay $0x3  }
0x36: {  	p1 =	seq.s32 s10, $0x1;
	s10 =	sld [smem:$0x3FBA];
	_ =	sdelay $0x3  }
0x37: {  	[smem:$0x3FBA] =	sst s10  }
0x38: {  	s10 =	sld [smem:$0x3FBB]  }
0x39: {  	_ = 	snop;
	(pc) =	sbr.ind lr, $3  }
0x3a: {  	_ = 	snop  }
0x3b: {  	_ = 	snop  }
0x3c: {  	p2 =	seq.s32 s10, $0x1;
	s10 =	sld [smem:$0x3FBA]  }
0x3d: {  	_ =	shalt  }
0x3e: {  	_ =	shalt  }
0x3f: {  	_ =	shalt  }
0x40: {  	_ =	shalt  }
0x41: {  	_ =	shalt  }
0x42: {  	_ =	shalt  }
0x43: {  	_ =	shalt  }
0x44: {  	_ =	shalt  }
0x45: {  	_ =	shalt  }
0x46: {  	_ =	shalt  }
0x47: {  	_ =	shalt  }
0x48: {  	_ =	shalt  }
0x49: {  	_ =	shalt  }
0x4a: {  	_ =	shalt  }
0x4b: {  	_ =	shalt  }
0x4c: {  	_ =	shalt  }
0x4d: {  	_ =	shalt  }
0x4e: {  	_ =	shalt  }
0x4f: {  	_ =	shalt  }
0x50: {  	_ =	shalt  }
0x51: {  	_ =	shalt  }
0x52: {  	_ =	shalt  }
0x53: {  	_ =	shalt  }
0x54: {  	_ =	shalt  }
0x55: {  	_ =	shalt  }
0x56: {  	_ =	shalt  }
0x57: {  	_ =	shalt  }
0x58: {  	_ =	shalt  }
0x59: {  	_ =	shalt  }
0x5a: {  	_ =	shalt  }
0x5b: {  	_ =	shalt  }
0x5c: {  	_ =	shalt  }
0x5d: {  	_ =	shalt  }
0x5e: {  	_ =	shalt  }
0x5f: {  	_ =	shalt  }
0x60: {  	_ =	shalt  }
0x61: {  	_ =	shalt  }
0x62: {  	_ =	shalt  }
0x63: {  	_ =	shalt  }
0x64: {  	_ =	shalt  }
0x65: {  	_ =	shalt  }
0x66: {  	_ =	shalt  }
0x67: {  	_ =	shalt  }
0x68: {  	_ =	shalt  }
0x69: {  	_ =	shalt  }
0x6a: {  	_ =	shalt  }
0x6b: {  	_ =	shalt  }
0x6c: {  	_ =	shalt  }
0x6d: {  	_ =	shalt  }
0x6e: {  	_ =	shalt  }
0x6f: {  	_ =	shalt  }
0x70: {  	_ =	shalt  }
0x71: {  	_ =	shalt  }
0x72: {  	_ =	shalt  }
0x73: {  	_ =	shalt  }
0x74: {  	_ =	shalt  }
0x75: {  	_ =	shalt  }
0x76: {  	_ =	shalt  }
0x77: {  	_ =	shalt  }
0x78: {  	_ =	shalt  }
0x79: {  	_ =	shalt  }
0x7a: {  	_ =	shalt  }
0x7b: {  	_ =	shalt  }
0x7c: {  	_ =	shalt  }
0x7d: {  	_ =	shalt  }
0x7e: {  	_ =	shalt  }
0x7f: {  	_ =	shalt  }
0x80: {  	_ =	shalt  }
0x81: {  	_ =	shalt  }
0x82: {  	_ =	shalt  }
0x83: {  	_ =	shalt  }
0x84: {  	_ =	shalt  }
0x85: {  	_ =	shalt  }
0x86: {  	_ =	shalt  }
0x87: {  	_ =	shalt  }
.Lfunc_end0:
.L_simem_size_0:
called_computation_lowered:
.L_overlay_start_0:
0x88: {  	s2 =	sld [smem:$0x3FD9]  }
0x89: {  	s3 =	sld [smem:$0x3FFE];
	_ =	sdelay $0x1  }
0x8a: {  	s1 =	srdreg.scid  }
0x8b: {  	s0 =	sand.u32 $0x1, s1  }
0x8c: {  	s18 =	sshll.u32 s0, $0xA;
	s2 =	sadd.s32 s3, s2  }
0x8d: {  	s2 =	sadd.s32 s2, s18  }
0x8e: {  	[smem:$0x3FC6] =	sst s2  }
0x8f: {  	_ = 	snop  }
0x90: {  	s2 =	sld [smem:$0x3FC9]  }
0x91: {  	s19 =	sld [smem:$0x3FC8]  }
0x92: {  	s4 =	sld [smem:$0x3FD0];
	(tm) =	ssettm $0x1  }
0x93: {  	s5 =	sld [smem:$0x3FFB];
	_ =	sdelay $0x3  }
0x94: {  	_ =	strace s5  }
0x95: {  	s5 =	sld [smem:$0x3FFC];
	_ =	sdelay $0x3  }
0x96: {  	_ =	strace s5  }
0x97: {  	s5 =	sld [smem:$0x3FFD];
	_ =	sdelay $0x3  }
0x98: {  	_ =	strace s5  }
0x99: {  	_ =	strace $0x8FFFFFFF  }
0x9a: {  	s20 =	sld [smem:$0x3FDB];
	_ =	sdelay $0x1  }
0x9b: {  	s6 =	simm.s32 $_scs_section_size  }
0x9c: {  	s7 =	simm.s32 $_size__tile_overlayer_lowered;
	s8 =	simm.s32 $_tile_overlayer_lowered  }
0x9d: {  	s23 =	simm.s32 $0x1BFF;
	s22 =	sshll.u32 s8, $0x1;
	s5 =	sadd.s32 s6, s20  }
0x9e: {  	s9 =	simm.s32 $0x0;
	s21 =	sshll.u32 s7, $0x1;
	s7 =	sadd.s32 s22, s5  }
0x9f: {  	[timem:s9], [sflag:s23] =	dma.local [hbm:s7], s21  }
0xa0: {  	_ =	swait.ge [sflag:s23], s21  }
0xa1: {  	s6 =	ssub.s32 $0x0, s21;
	[sflag:s23] =	ssyncset.done $0x0  }
0xa2: {  	[sflag:s23] =	ssyncadd.s32 s6;
	_ =	sdelay $0x1  }
0xa3: {  	s24 =	simm.s32 $0x1B8B  }
0xa4: {  	_ =	swait.ge [sflag:s24], $0x1  }
0xa5: {  	[sflag:s24] =	ssyncset.done $0x0  }
0xa6: {  	s25 =	simm.s32 $0x1B8E;
	[sflag:s24] =	ssyncadd.s32 $0xFFFFFFFF  }
0xa7: {  	s26 =	simm.s32 $execute0_lowered;
	[smem:$0x3FD2] =	sst s25  }
0xa8: {  	s6 =	sshll.u32 s26, $0x1;
	_ =	strace $0x80000046;
	[dreg:$0x1] =	wrdreg $0xFFFFFFFF  }
0xa9: {  	s28 =	simm.s32 $_size_execute0_lowered;
	s5 =	sadd.s32 s5, s6;
	[dreg:$0x0] =	wrdreg $0x0  }
0xaa: {  	s6 =	sshll.u32 s28, $0x1;
	[dreg:$0x2] =	wrdreg s5  }
0xab: {  	[dreg:$0x3] =	wrdreg s6  }
0xac: {  	[dreg:$0x4] =	wrdreg $0xC0  }
0xad: {  	_ =	task [dreg:s9], $0x5FFFF  }
0xae: {  	[dreg:$0x1] =	wrdreg $0xFFFFFFFF  }
0xaf: {  	[dreg:$0x0] =	wrdreg $0x60  }
0xb0: {  	[dreg:$0x2] =	wrdreg s2  }
0xb1: {  	[dreg:$0x3] =	wrdreg s19  }
0xb2: {  	[dreg:$0x4] =	wrdreg s4  }
0xb3: {  	[dreg:$0x5] =	wrdreg $0x9  }
0xb4: {  	_ =	task.clear_ibuf [dreg:s9], $0x6FFFF;
	_ =	strace $0x90000046  }
0xb5: {  	s29 =	simm.s32 $0x9;
	_ =	strace $0x80000048  }
0xb6: {  	_ =	swait.ge [sflag:s29], $0x1  }
0xb7: {  	[sflag:s29] =	ssyncadd.s32 $0xFFFFFFFF  }
0xb8: {  	_ =	strace $0x90000048  }
0xb9: {  	_ =	sfence  }
0xba: {  	s30 =	sld [smem:$0x0];
	_ =	sdelay $0x2  }
0xbb: {  	s31 =	sshll.u32 s1, $0xD;
	s1 =	sshrl.u32 s1, $0x2  }
0xbc: {  	s3 =	sand.u32 $0x4000, s31;
	s1 =	sadd.s32 s1, s30  }
0xbd: {  	s0 =	sor.u32 s3, s0;
	s1 =	sshll.u32 s1, $0x11  }
0xbe: {  	s0 =	sor.u32 s1, s0  }
0xbf: {  	s0 =	sadd.s32 $0x8F2B, s0  }
0xc0: {  	[sflag:s0] =	ssyncadd.remote.s32 $0x1  }
0xc1: {  	_ =	sfence.sel $0xFFFF  }
0xc2: {  	[dreg:$0x0] =	wrdreg $0xFFFFFFFF;
	(pc) =	sbr.abs _section_cstart, $3  }
0xc3: {  	[dreg:$0x1] =	wrdreg $0xFFFFFFFF  }
0xc4: {  	_ =	task.clear_ibuf [dreg:s9], $0x2FFFF;
	_ =	strace $0x9FFFFFFF  }
0xc5: {  	(tm) =	ssettm $0x7FFFFFFF  }
tec
execute0_lowered:
.L_overlay_start_1:
0x0: {  	(tag) =	ssettag $0x1  }
0x1: {  	s0 =	rddreg [dreg:$0x0]  }
0x2: {  	s1 =	rddreg [dreg:$0x1]  }
0x3: {  	s2 =	rddreg [dreg:$0x2];
	s4 =	srdreg.scid  }
0x4: {  	s3 =	simm.s32 $0x0;
	s9 =	stileid.u32;
	s10 =	simm.s32 $0x8000  }
0x5: {  	s11 =	simm.s32 $0x1800;
	s12 =	simm.s32 $0xB;
	s13 =	simm.s32 $0x80  }
0x6: {  	s14 =	simm.s32 $0x1C00;
	s15 =	simm.s32 $0x5C00;
	s16 =	simm.s32 $0x1  }
0x7: {  	s17 =	simm.s32 $0x9C00;
	s18 =	simm.s32 $0x2;
	s19 =	simm.s32 $0xDC00  }
0x8: {  	s20 =	simm.s32 $0x3;
	s21 =	simm.s32 $0x11C00;
	s22 =	simm.s32 $0x4  }
0x9: {  	s23 =	simm.s32 $0x5;
	s24 =	simm.s32 $0x6;
	s28 =	simm.s32 $0x9  }
0xa: {  	s29 =	simm.s32 $0xA;
	s30 =	simm.s32 $0x0;
	s6 =	sand.u32 $0x1, s4  }
0xb: {  	s5 =	sshll.u32 s9, $0x8;
	[smem:$0x7FF] =	sst s3;
	s26 =	sshll.u32 s9, $0xC  }
0xc: {  	s4 =	ssub.s32 $0x2, s6;
	s7 =	sshll.u32 s6, $0x7;
	_ =	strace $0x80000047  }
.Ltmp0:
0xd: {  	s8 =	sshrl.u32 s4, $0x1;
	s7 =	sor.u32 s7, s5;
	(pc) =	sbr.rel .LBB2_1-.Ltmp0, $4  }
0xe: {  	s8 =	ssub.s32 s4, s8;
	s4 =	sadd.s32 s0, s7;
	s25 =	sshll.u32 s7, $0x4  }
0xf: {  	s31 =	sshll.u32 s6, $0xB;
	s5 =	sadd.s32 $0x6000, s4;
	s0 =	sadd.s32 s2, s25  }
0x10: {  	s2 =	sadd.s32 s26, s2;
	s6 =	smax.u32 s8, $0x1;
	s25 =	simm.s32 $0x7  }
0x11: {  	s26 =	simm.s32 $0x8;
	s7 =	sadd.s32 $0x310000, s0;
	s8 =	sadd.s32 s31, s2  }
.LBB2_4:
0x12: {  	_ =	swait.ge [sflag:s23], $0x4000  }
0x13: {  	[sflag:s23] =	ssyncset.done $0x0  }
0x14: {  	[sflag:s23] =	ssyncadd.s32 $0xFFFFC000  }
0x15: {  	[hbm4b:s7+s3] =	stream.linear.scatter [tilespmem:s21], [sflag:$0xA], $0x4000, $0x38;
	[tilespmem:$0x15C00] =	vst v63  }
0x16: {  	_ =	swait.ge [sflag:s24], $0x4000  }
0x17: {  	[sflag:s24] =	ssyncset.done $0x0  }
0x18: {  	[sflag:s24] =	ssyncadd.s32 $0xFFFFC000  }
0x19: {  	_ =	swait.ge [sflag:s25], $0x4000  }
0x1a: {  	[sflag:s25] =	ssyncset.done $0x0  }
0x1b: {  	[sflag:s25] =	ssyncadd.s32 $0xFFFFC000  }
0x1c: {  	_ =	swait.ge [sflag:s26], $0x4000  }
0x1d: {  	[sflag:s26] =	ssyncset.done $0x0  }
0x1e: {  	s30 =	sadd.s32 $0x1, s30;
	[sflag:s26] =	ssyncadd.s32 $0xFFFFC000  }
0x1f: {  	p0 =	sne.s32 s30, s6;
	_ =	swait.ge [sflag:s28], $0x4000  }
.Ltmp1:
0x20: {  	[sflag:s28] =	ssyncset.done $0x0;
	(pc) =	sbr.rel @!p0 .LBB2_5-.Ltmp1, $4  }
0x21: {  	[sflag:s28] =	ssyncadd.s32 $0xFFFFC000  }
0x22: {  	_ =	swait.ge [sflag:s29], $0x4000  }
0x23: {  	[sflag:s29] =	ssyncset.done $0x0  }
0x24: {  	[sflag:s29] =	ssyncadd.s32 $0xFFFFC000  }
.LBB2_1:
0x25: {  	s0 =	simm.s32 $0x400  }
0x26: {  	[tilespmem:s3], [sflag:$0xB] =	stream.strided.gather [hbm4b:s4+s0], $0x1800, s10, s0, $0x38;
	[tilespmem:$0x15C00] =	vst v63  }
0x27: {  	_ = 	snop  }
0x28: {  	[tilespmem:s11], [sflag:$0xB] =	stream.linear.gather [hbm4b:s5+s3], $0x100, $0x38;
	[tilespmem:$0x15C00] =	vst v63  }
0x29: {  	_ =	swait.ge [sflag:s12], $0x1900  }
0x2a: {  	[sflag:s12] =	ssyncset.done $0x0  }
0x2b: {  	[sflag:s12] =	ssyncadd.s32 $0xFFFFE700  }
0x2c: {  	[tilespmem:s14], [sflag:$0x1] =	stream.indirect.gather [hbm4b:s1+s13], $0x80, s3, s13, $0xb8;
	[tilespmem:$0x15C00] =	vst v63  }
0x2d: {  	s31 =	smov.u32 s8;
	s0 =	simm.s32 $0x0  }
0x2e: {  	[tilespmem:s15], [sflag:$0x2] =	stream.indirect.gather [hbm4b:s1+s13], $0x80, s13, s13, $0xb8;
	[tilespmem:$0x15C00] =	vst v63  }
.LBB2_2:
0x2f: {  	_ =	swait.ge [sflag:s16], $0x4000  }
0x30: {  	p0 =	seq.s32 s0, $0x0;
	[sflag:s16] =	ssyncset.done $0x0  }
0x31: {  	s9 =	simm.s32 @!p0 $0x8;
	[sflag:s16] =	ssyncadd.s32 $0xFFFFC000  }
0x32: {  	[hbm4b:s31+s3] =	stream.linear.scatter [tilespmem:s14], [sflag:$0x6], $0x4000, $0x38;
	[tilespmem:$0x15C00] =	vst v63  }
0x33: {  	_ =	swait.ge @!p0 [sflag:s9], $0x4000  }
0x34: {  	s2 =	sshra.s32 s0, $0x2;
	[sflag:s9] =	ssyncset.done @!p0 $0x0  }
0x35: {  	[sflag:s9] =	ssyncadd.s32 @!p0 $0xFFFFC000;
	s9 =	sadd.s32 $0x100, s2  }
0x36: {  	[tilespmem:s17], [sflag:$0x3] =	stream.indirect.gather [hbm4b:s1+s13], $0x80, s9, s13, $0xb8;
	[tilespmem:$0x15C00] =	vst v63  }
0x37: {  	_ =	swait.ge [sflag:s18], $0x4000  }
0x38: {  	[sflag:s18] =	ssyncset.done $0x0  }
0x39: {  	s9 =	sadd.s32 $0x10000, s31;
	[sflag:s18] =	ssyncadd.s32 $0xFFFFC000  }
0x3a: {  	[hbm4b:s9+s3] =	stream.linear.scatter [tilespmem:s15], [sflag:$0x7], $0x4000, $0x38;
	[tilespmem:$0x15C00] =	vst v63  }
0x3b: {  	s9 =	simm.s32 @!p0 $0x9  }
0x3c: {  	_ =	swait.ge @!p0 [sflag:s9], $0x4000  }
0x3d: {  	[sflag:s9] =	ssyncset.done @!p0 $0x0  }
0x3e: {  	[sflag:s9] =	ssyncadd.s32 @!p0 $0xFFFFC000;
	s9 =	sadd.s32 $0x180, s2  }
0x3f: {  	[tilespmem:s19], [sflag:$0x4] =	stream.indirect.gather [hbm4b:s1+s13], $0x80, s9, s13, $0xb8;
	[tilespmem:$0x15C00] =	vst v63  }
0x40: {  	_ =	swait.ge [sflag:s20], $0x4000  }
0x41: {  	[sflag:s20] =	ssyncset.done $0x0  }
0x42: {  	s9 =	sadd.s32 $0x20000, s31;
	[sflag:s20] =	ssyncadd.s32 $0xFFFFC000  }
0x43: {  	[hbm4b:s9+s3] =	stream.linear.scatter [tilespmem:s17], [sflag:$0x8], $0x4000, $0x38;
	[tilespmem:$0x15C00] =	vst v63  }
0x44: {  	s9 =	simm.s32 @!p0 $0xA  }
0x45: {  	_ =	swait.ge @!p0 [sflag:s9], $0x4000  }
0x46: {  	[sflag:s9] =	ssyncset.done @!p0 $0x0  }
0x47: {  	[sflag:s9] =	ssyncadd.s32 @!p0 $0xFFFFC000;
	s9 =	sadd.s32 $0x200, s2;
	p0 =	seq.s32 s0, $0x5A00  }
0x48: {  	[tilespmem:s21], [sflag:$0x5] =	stream.indirect.gather [hbm4b:s1+s13], $0x80, s9, s13, $0xb8;
	[tilespmem:$0x15C00] =	vst v63  }
.Ltmp2:
0x49: {  	_ = 	snop;
	(pc) =	sbr.rel @p0 .LBB2_4-.Ltmp2, $4  }
0x4a: {  	_ =	swait.ge [sflag:s22], $0x4000  }
0x4b: {  	[sflag:s22] =	ssyncset.done $0x0  }
0x4c: {  	s9 =	sadd.s32 $0x30000, s31;
	[sflag:s22] =	ssyncadd.s32 $0xFFFFC000  }
0x4d: {  	[hbm4b:s9+s3] =	stream.linear.scatter [tilespmem:s19], [sflag:$0x9], $0x4000, $0x38;
	[tilespmem:$0x15C00] =	vst v63  }
0x4e: {  	_ =	swait.ge [sflag:s24], $0x4000  }
0x4f: {  	[sflag:s24] =	ssyncset.done $0x0  }
0x50: {  	s9 =	sadd.s32 $0x280, s2;
	[sflag:s24] =	ssyncadd.s32 $0xFFFFC000  }
0x51: {  	[tilespmem:s14], [sflag:$0x1] =	stream.indirect.gather [hbm4b:s1+s13], $0x80, s9, s13, $0xb8;
	[tilespmem:$0x15C00] =	vst v63  }
0x52: {  	_ =	swait.ge [sflag:s23], $0x4000  }
0x53: {  	[sflag:s23] =	ssyncset.done $0x0  }
0x54: {  	s9 =	sadd.s32 $0x40000, s31;
	[sflag:s23] =	ssyncadd.s32 $0xFFFFC000  }
0x55: {  	[hbm4b:s9+s3] =	stream.linear.scatter [tilespmem:s21], [sflag:$0xA], $0x4000, $0x38;
	[tilespmem:$0x15C00] =	vst v63  }
.Ltmp3:
0x56: {  	_ = 	snop;
	(pc) =	sbr.rel .LBB2_2-.Ltmp3, $4  }
0x57: {  	_ =	swait.ge [sflag:s25], $0x4000  }
0x58: {  	s0 =	sadd.s32 $0xA00, s0;
	[sflag:s25] =	ssyncset.done $0x0  }
0x59: {  	s31 =	sadd.s32 $0x50000, s31;
	s9 =	sadd.s32 $0x300, s2;
	[sflag:s25] =	ssyncadd.s32 $0xFFFFC000  }
0x5a: {  	[tilespmem:s15], [sflag:$0x2] =	stream.indirect.gather [hbm4b:s1+s13], $0x80, s9, s13, $0xb8;
	[tilespmem:$0x15C00] =	vst v63  }
.LBB2_5:
0x5b: {  	_ =	sfence.sel $0x180000  }
0x5c: {  	[bflag:$0x0] =	sbarrier.arrive $0xFFFF  }
0x5d: {  	_ =	strace $0x90000047  }
0x5e: {  	s0 =	stileid.u32;
	[bflag:$0x2] =	sbarrier.arrive $0xFFFF  }
0x5f: {  	p0 =	sne.s32 s0, $0x0;
	s0 =	rddreg [dreg:$0x3]  }
0x60: {  	s0 =	sadd.s32 @!p0 $0x100000, s0  }
0x61: {  	[sflag:s0] =	ssyncadd.tile.s32 @!p0 $0x1;
	_ =	shalt  }
.Lfunc_end2:
_tile_overlayer_lowered:
.L_overlay_start_2:
0x62: {  	(tag) =	ssettag $0x2  }
0x63: {  	s0 =	rddreg [dreg:$0x0];
	s2 =	stileid.u32  }
0x64: {  	s1 =	rddreg [dreg:$0x1];
	p0 =	sne.s32 s2, $0x0  }
0x65: {  	s3 =	rddreg [dreg:$0x2];
	[bflag:$0x3] =	sbarrier.arrive $0xFFFF;
	s2 =	simm.s32 @!p0 $0x1C0B  }
0x66: {  	[timem:s3], [sflag:s2] =	dma.local @!p0 [hbm:s0], s1  }
0x67: {  	s0 =	simm.s32 @!p0 $0xB  }
0x68: {  	_ =	swait.ge @!p0 [sflag:s0], s1  }
0x69: {  	s1 =	ssub.s32 @!p0 $0x0, s1;
	[sflag:s0] =	ssyncset.done @!p0 $0x0  }
0x6a: {  	[sflag:s0] =	ssyncadd.s32 @!p0 s1  }
0x6b: {  	[bflag:$0x3] =	sbarrier.arrive $0xFFFF  }
0x6c: {  	_ =	shalt  }

</sc_bundles>
